<compile_context>
chip_gen: v7x
topology: tpu7x:2x2x1
jax: 0.10.2.dev20260603
libtpu: 0.0.44.dev20260713+nightly
codegen_flags: <defaults>
</compile_context>

<pallas_src>
import functools

import jax
import jax.numpy as jnp
from jax import lax
from jax.experimental import pallas as pl
from jax.experimental.pallas import tpu as pltpu
from jax.experimental.pallas import tpu_sc as plsc

_BETA = 0.25
_N = 16384
_K = 8192
_D = 32
_BLK = 512
_S = 4096
_R2D = 128
_NW = 32
_RPW = _R2D // _NW


_CHUNK = 128


def _dist_argmin_body(x_ref, cbt2_ref, idx_ref, msum_ref):
    z = jnp.transpose(x_ref[...][0], (1, 0))
    cbt2 = cbt2_ref[...]
    zn = jnp.sum(z * z, axis=1, keepdims=True)
    cn = 0.25 * jnp.sum(cbt2 * cbt2, axis=0, keepdims=True)
    zc2 = lax.dot_general(z, cbt2, (((1,), (0,)), ((), ())),
                          preferred_element_type=jnp.float32)
    rmin = jnp.full((_BLK, _CHUNK), jnp.inf, jnp.float32)
    rgrp = jnp.zeros((_BLK, _CHUNK), jnp.int32)
    for g in range(_K // _CHUNK):
        sl = slice(g * _CHUNK, (g + 1) * _CHUNK)
        d = (zn + zc2[:, sl]) + cn[:, sl]
        pred = d < rmin
        rmin = jnp.where(pred, d, rmin)
        rgrp = jnp.where(pred, g, rgrp)
    gmin = jnp.min(rmin, axis=1, keepdims=True)
    col = rgrp * _CHUNK + lax.broadcasted_iota(jnp.int32, rgrp.shape, 1)
    idx = jnp.min(jnp.where(rmin == gmin, col, _K), axis=1, keepdims=True)
    idx_ref[...] = idx

    @pl.when(pl.program_id(0) == 0)
    def _():
        msum_ref[...] = jnp.zeros_like(msum_ref)

    msum_ref[...] = msum_ref[...] + jnp.sum(gmin)


_dist_argmin = pl.pallas_call(
    _dist_argmin_body,
    grid=(_N // _BLK,),
    in_specs=[
        pl.BlockSpec((1, _D, _BLK),
                     lambda i: (i // (_S // _BLK), 0, i % (_S // _BLK))),
        pl.BlockSpec((_D, _K), lambda i: (0, 0)),
    ],
    out_specs=[
        pl.BlockSpec((_BLK, 1), lambda i: (i, 0)),
        pl.BlockSpec((1, 1), lambda i: (0, 0)),
    ],
    out_shape=[
        jax.ShapeDtypeStruct((_N, 1), jnp.int32),
        jax.ShapeDtypeStruct((1, 1), jnp.float32),
    ],
)


_DPAD = 128


@functools.cache
def _build_gather_codes():
    @functools.partial(
        pl.kernel,
        mesh=plsc.VectorSubcoreMesh(core_axis_name="c", subcore_axis_name="s"),
        out_type=jax.ShapeDtypeStruct((_R2D, _R2D, _DPAD), jnp.float32),
        scratch_types=[
            pltpu.VMEM((_RPW, _R2D), jnp.int32),
            pltpu.VMEM((_RPW, _R2D, _DPAD), jnp.float32),
            pltpu.SemaphoreType.DMA,
        ],
    )
    def _gather_codes(idx_hbm, cb_hbm, out_hbm, idx_v, rows_v, sem):
        wid = lax.axis_index("s") * 2 + lax.axis_index("c")
        base = wid * _RPW
        pltpu.sync_copy(idx_hbm.at[pl.ds(base, _RPW)], idx_v)
        copies = [
            pltpu.async_copy(cb_hbm.at[idx_v.at[j]], rows_v.at[j], sem)
            for j in range(_RPW)
        ]
        for c in copies:
            c.wait()
        pltpu.sync_copy(rows_v, out_hbm.at[pl.ds(base, _RPW)])

    return _gather_codes


def kernel(x, codebook):
    B, C, Dd, H, W = x.shape
    idx2d, msum = _dist_argmin(x.reshape(B, C, _S), -2.0 * codebook.T)
    cb_pad = jnp.pad(codebook, ((0, 0), (0, _DPAD - _D)))
    z_q = _build_gather_codes()(
        idx2d.reshape(_R2D, _R2D), cb_pad).reshape(_N, _DPAD)[:, :_D]
    mean = msum[0, 0] / jnp.float32(_N * _D)
    loss = mean + _BETA * mean
    x_rec = jnp.transpose(z_q.reshape(B, Dd, H, W, C), (0, 4, 1, 2, 3))
    index_spatial = idx2d.reshape(B, Dd, H, W)
    return (x_rec, loss, index_spatial)

# --- scband reference (transcript-rebuilt; emitter-appended) ---
"""Pipeline reference for scband-vqtokenizer-base-87746181857360 (READ-ONLY COPY).

The authoritative reference and input builder live on the scoring server;
editing this copy changes nothing except your own understanding.
"""

import jax, jax.numpy as jnp
import numpy as np

BETA = 0.25
K = 8192
CODE_DIM = 32

def setup_inputs(seed: int = 0) -> dict:
    key = jax.random.key(seed)
    k1, k2 = jax.random.split(key)
    x = jax.random.normal(k1, (4, 32, 16, 16, 16), dtype=jnp.float32)
    codebook = jax.random.normal(k2, (K, CODE_DIM), dtype=jnp.float32) * 0.02
    return {"x": x, "codebook": codebook}

def reference(x, codebook):
    # encode: identity (abstract in base class; latent z already channel-first spatial)
    B, C, D, H, W = x.shape
    z = x
    # flatten spatial dims, channels last: n ... d -> (n ...) d
    z_flat = jnp.transpose(z, (0, 2, 3, 4, 1)).reshape(-1, C)
    # VectorQuantizer: L2 nearest-neighbor lookup into codebook
    dist = (jnp.sum(z_flat ** 2, axis=1, keepdims=True)
            - 2.0 * (z_flat @ codebook.T)
            + jnp.sum(codebook ** 2, axis=1)[None, :])
    index = jnp.argmin(dist, axis=1)
    z_q = jnp.take(codebook, index, axis=0)
    # VQ losses (codebook + beta * commitment)
    commit_loss = jnp.mean((z_flat - jax.lax.stop_gradient(z_q)) ** 2)
    embed_loss = jnp.mean((jax.lax.stop_gradient(z_flat) - z_q) ** 2)
    loss = embed_loss + BETA * commit_loss
    # straight-through estimator
    z_q_st = z_flat + jax.lax.stop_gradient(z_q - z_flat)
    z_q_spatial = jnp.transpose(z_q_st.reshape(B, D, H, W, C), (0, 4, 1, 2, 3))
    # decode: identity (abstract in base class)
    x_rec = z_q_spatial
    index_spatial = index.reshape(B, D, H, W)
    return (x_rec, loss, index_spatial)

if __name__ == "__main__":
    import jax
    _d = setup_inputs()
    print(jax.jit(kernel)(*tuple(_d.values())))

</pallas_src>

<mosaic_0001>
#map = affine_map<(d0, d1) -> (0, 0)>
#map1 = affine_map<(d0, d1) -> (0, 0, 0)>
module attributes {stable_mosaic.version = 14 : i64} {
  func.func @_gather_codes(%arg0: i32, %arg1: i32, %arg2: memref<128x128xi32, #tpu.memory_space<hbm>>, %arg3: memref<8192x128xf32, #tpu.memory_space<hbm>>, %arg4: memref<128x128x128xf32, #tpu.memory_space<hbm>>, %arg5: memref<4x128xi32, #tpu.memory_space<vmem>>, %arg6: memref<4x128x128xf32, #tpu.memory_space<vmem>>, %arg7: memref<!tpu.dma_semaphore, #tpu.memory_space<semaphore_mem>>) attributes {dimension_semantics = [#tpu.dimension_semantics<core_parallel>, #tpu.dimension_semantics<subcore_parallel>], iteration_bounds = array<i64: 2, 16>, scalar_prefetch = 0 : i64, scratch_operands = 3 : i64, tpu.core_type = #tpu.core_type<sc_vector_subcore>, window_params = [{transform_indices = #map}, {transform_indices = #map}, {transform_indices = #map1}]} {
    %mul3A = arith.constant 2 : i32
    %mul3A_0 = arith.muli %arg1, %mul3A : i32
    %add3A = arith.addi %mul3A_0, %arg0 : i32
    %mul3A_1 = arith.constant 4 : i32
    %mul3A_2 = arith.muli %add3A, %mul3A_1 : i32
    "tpu.region"() ({
      %run_scoped3A = tpu.sem_alloc : memref<!tpu.dma_semaphore, #tpu.memory_space<semaphore_mem>>
      %dma_start3A_97 = arith.constant 0 : i32
      %dma_start3A_98 = tpu.memref_slice %arg2[%mul3A_2, %dma_start3A_97] : memref<128x128xi32, #tpu.memory_space<hbm>> -> memref<4x128xi32, #tpu.memory_space<hbm>>
      %dma_start3A_99 = arith.constant 0 : i32
      %dma_start3A_100 = tpu.memref_slice %arg2[%mul3A_2, %dma_start3A_99] : memref<128x128xi32, #tpu.memory_space<hbm>> -> memref<4x128xi32, #tpu.memory_space<hbm>>
      tpu.enqueue_dma source(%dma_start3A_100 : memref<4x128xi32, #tpu.memory_space<hbm>>) target(%arg5 : memref<4x128xi32, #tpu.memory_space<vmem>>) target_semaphore(%run_scoped3A : memref<!tpu.dma_semaphore, #tpu.memory_space<semaphore_mem>>)
      %dma_wait3A_101 = arith.constant 0 : i32
      %dma_wait3A_102 = tpu.memref_slice %arg2[%mul3A_2, %dma_wait3A_101] : memref<128x128xi32, #tpu.memory_space<hbm>> -> memref<4x128xi32, #tpu.memory_space<hbm>>
      %dma_wait3A_103 = arith.constant 0 : i32
      %dma_wait3A_104 = tpu.memref_slice %arg2[%mul3A_2, %dma_wait3A_103] : memref<128x128xi32, #tpu.memory_space<hbm>> -> memref<4x128xi32, #tpu.memory_space<hbm>>
      tpu.wait_dma2 semaphore(%run_scoped3A : memref<!tpu.dma_semaphore, #tpu.memory_space<semaphore_mem>>) src(%dma_wait3A_104 : memref<4x128xi32, #tpu.memory_space<hbm>>) dst(%arg5 : memref<4x128xi32, #tpu.memory_space<vmem>>)
      tpu.yield
    }) : () -> ()
    %dma_start3A = arith.constant 0 : i32
    %dma_start3A_3 = arith.constant 0 : i32
    %dma_start3A_4 = arith.constant 0 : i32
    %dma_start3A_5 = arith.constant 0 : i32
    %dma_start3A_6 = tpu.memref_slice %arg6[%dma_start3A_3, %dma_start3A_4, %dma_start3A_5] : memref<4x128x128xf32, #tpu.memory_space<vmem>> -> memref<1x128x128xf32, #tpu.memory_space<vmem>>
    %dma_start3A_7 = tpu.memref_squeeze %dma_start3A_6 : memref<1x128x128xf32, #tpu.memory_space<vmem>> -> memref<128x128xf32, #tpu.memory_space<vmem>>
    %dma_start3A_8 = arith.constant 0 : i32
    %dma_start3A_9 = tpu.memref_slice %arg5[%dma_start3A, %dma_start3A_8] : memref<4x128xi32, #tpu.memory_space<vmem>> -> memref<1x128xi32, #tpu.memory_space<vmem>>
    %dma_start3A_10 = tpu.memref_squeeze %dma_start3A_9 : memref<1x128xi32, #tpu.memory_space<vmem>> -> memref<128xi32, #tpu.memory_space<vmem>>
    %dma_start3A_11 = arith.constant 0 : i32
    %dma_start3A_12 = arith.constant 0 : i32
    %dma_start3A_13 = tpu.memref_slice %arg3[%dma_start3A_11, %dma_start3A_12] : memref<8192x128xf32, #tpu.memory_space<hbm>> -> memref<8192x128xf32, #tpu.memory_space<hbm>>
    tpu.enqueue_indirect_dma source(%dma_start3A_13 : memref<8192x128xf32, #tpu.memory_space<hbm>>) target(%dma_start3A_7 : memref<128x128xf32, #tpu.memory_space<vmem>>) offsets(%dma_start3A_10 : memref<128xi32, #tpu.memory_space<vmem>>) semaphore(%arg7 : memref<!tpu.dma_semaphore, #tpu.memory_space<semaphore_mem>>)
    %dma_start3A_14 = arith.constant 1 : i32
    %dma_start3A_15 = arith.constant 1 : i32
    %dma_start3A_16 = arith.constant 0 : i32
    %dma_start3A_17 = arith.constant 0 : i32
    %dma_start3A_18 = tpu.memref_slice %arg6[%dma_start3A_15, %dma_start3A_16, %dma_start3A_17] : memref<4x128x128xf32, #tpu.memory_space<vmem>> -> memref<1x128x128xf32, #tpu.memory_space<vmem>>
    %dma_start3A_19 = tpu.memref_squeeze %dma_start3A_18 : memref<1x128x128xf32, #tpu.memory_space<vmem>> -> memref<128x128xf32, #tpu.memory_space<vmem>>
    %dma_start3A_20 = arith.constant 0 : i32
    %dma_start3A_21 = tpu.memref_slice %arg5[%dma_start3A_14, %dma_start3A_20] : memref<4x128xi32, #tpu.memory_space<vmem>> -> memref<1x128xi32, #tpu.memory_space<vmem>>
    %dma_start3A_22 = tpu.memref_squeeze %dma_start3A_21 : memref<1x128xi32, #tpu.memory_space<vmem>> -> memref<128xi32, #tpu.memory_space<vmem>>
    %dma_start3A_23 = arith.constant 0 : i32
    %dma_start3A_24 = arith.constant 0 : i32
    %dma_start3A_25 = tpu.memref_slice %arg3[%dma_start3A_23, %dma_start3A_24] : memref<8192x128xf32, #tpu.memory_space<hbm>> -> memref<8192x128xf32, #tpu.memory_space<hbm>>
    tpu.enqueue_indirect_dma source(%dma_start3A_25 : memref<8192x128xf32, #tpu.memory_space<hbm>>) target(%dma_start3A_19 : memref<128x128xf32, #tpu.memory_space<vmem>>) offsets(%dma_start3A_22 : memref<128xi32, #tpu.memory_space<vmem>>) semaphore(%arg7 : memref<!tpu.dma_semaphore, #tpu.memory_space<semaphore_mem>>)
    %dma_start3A_26 = arith.constant 2 : i32
    %dma_start3A_27 = arith.constant 2 : i32
    %dma_start3A_28 = arith.constant 0 : i32
    %dma_start3A_29 = arith.constant 0 : i32
    %dma_start3A_30 = tpu.memref_slice %arg6[%dma_start3A_27, %dma_start3A_28, %dma_start3A_29] : memref<4x128x128xf32, #tpu.memory_space<vmem>> -> memref<1x128x128xf32, #tpu.memory_space<vmem>>
    %dma_start3A_31 = tpu.memref_squeeze %dma_start3A_30 : memref<1x128x128xf32, #tpu.memory_space<vmem>> -> memref<128x128xf32, #tpu.memory_space<vmem>>
    %dma_start3A_32 = arith.constant 0 : i32
    %dma_start3A_33 = tpu.memref_slice %arg5[%dma_start3A_26, %dma_start3A_32] : memref<4x128xi32, #tpu.memory_space<vmem>> -> memref<1x128xi32, #tpu.memory_space<vmem>>
    %dma_start3A_34 = tpu.memref_squeeze %dma_start3A_33 : memref<1x128xi32, #tpu.memory_space<vmem>> -> memref<128xi32, #tpu.memory_space<vmem>>
    %dma_start3A_35 = arith.constant 0 : i32
    %dma_start3A_36 = arith.constant 0 : i32
    %dma_start3A_37 = tpu.memref_slice %arg3[%dma_start3A_35, %dma_start3A_36] : memref<8192x128xf32, #tpu.memory_space<hbm>> -> memref<8192x128xf32, #tpu.memory_space<hbm>>
    tpu.enqueue_indirect_dma source(%dma_start3A_37 : memref<8192x128xf32, #tpu.memory_space<hbm>>) target(%dma_start3A_31 : memref<128x128xf32, #tpu.memory_space<vmem>>) offsets(%dma_start3A_34 : memref<128xi32, #tpu.memory_space<vmem>>) semaphore(%arg7 : memref<!tpu.dma_semaphore, #tpu.memory_space<semaphore_mem>>)
    %dma_start3A_38 = arith.constant 3 : i32
    %dma_start3A_39 = arith.constant 3 : i32
    %dma_start3A_40 = arith.constant 0 : i32
    %dma_start3A_41 = arith.constant 0 : i32
    %dma_start3A_42 = tpu.memref_slice %arg6[%dma_start3A_39, %dma_start3A_40, %dma_start3A_41] : memref<4x128x128xf32, #tpu.memory_space<vmem>> -> memref<1x128x128xf32, #tpu.memory_space<vmem>>
    %dma_start3A_43 = tpu.memref_squeeze %dma_start3A_42 : memref<1x128x128xf32, #tpu.memory_space<vmem>> -> memref<128x128xf32, #tpu.memory_space<vmem>>
    %dma_start3A_44 = arith.constant 0 : i32
    %dma_start3A_45 = tpu.memref_slice %arg5[%dma_start3A_38, %dma_start3A_44] : memref<4x128xi32, #tpu.memory_space<vmem>> -> memref<1x128xi32, #tpu.memory_space<vmem>>
    %dma_start3A_46 = tpu.memref_squeeze %dma_start3A_45 : memref<1x128xi32, #tpu.memory_space<vmem>> -> memref<128xi32, #tpu.memory_space<vmem>>
    %dma_start3A_47 = arith.constant 0 : i32
    %dma_start3A_48 = arith.constant 0 : i32
    %dma_start3A_49 = tpu.memref_slice %arg3[%dma_start3A_47, %dma_start3A_48] : memref<8192x128xf32, #tpu.memory_space<hbm>> -> memref<8192x128xf32, #tpu.memory_space<hbm>>
    tpu.enqueue_indirect_dma source(%dma_start3A_49 : memref<8192x128xf32, #tpu.memory_space<hbm>>) target(%dma_start3A_43 : memref<128x128xf32, #tpu.memory_space<vmem>>) offsets(%dma_start3A_46 : memref<128xi32, #tpu.memory_space<vmem>>) semaphore(%arg7 : memref<!tpu.dma_semaphore, #tpu.memory_space<semaphore_mem>>)
    %dma_wait3A = arith.constant 0 : i32
    %dma_wait3A_50 = arith.constant 0 : i32
    %dma_wait3A_51 = arith.constant 0 : i32
    %dma_wait3A_52 = arith.constant 0 : i32
    %dma_wait3A_53 = tpu.memref_slice %arg6[%dma_wait3A_50, %dma_wait3A_51, %dma_wait3A_52] : memref<4x128x128xf32, #tpu.memory_space<vmem>> -> memref<1x128x128xf32, #tpu.memory_space<vmem>>
    %dma_wait3A_54 = tpu.memref_squeeze %dma_wait3A_53 : memref<1x128x128xf32, #tpu.memory_space<vmem>> -> memref<128x128xf32, #tpu.memory_space<vmem>>
    %dma_wait3A_55 = arith.constant 0 : i32
    %dma_wait3A_56 = tpu.memref_slice %arg5[%dma_wait3A, %dma_wait3A_55] : memref<4x128xi32, #tpu.memory_space<vmem>> -> memref<1x128xi32, #tpu.memory_space<vmem>>
    %dma_wait3A_57 = tpu.memref_squeeze %dma_wait3A_56 : memref<1x128xi32, #tpu.memory_space<vmem>> -> memref<128xi32, #tpu.memory_space<vmem>>
    %dma_wait3A_58 = arith.constant 0 : i32
    %dma_wait3A_59 = arith.constant 0 : i32
    %dma_wait3A_60 = tpu.memref_slice %arg3[%dma_wait3A_58, %dma_wait3A_59] : memref<8192x128xf32, #tpu.memory_space<hbm>> -> memref<8192x128xf32, #tpu.memory_space<hbm>>
    tpu.wait_indirect_dma semaphore(%arg7 : memref<!tpu.dma_semaphore, #tpu.memory_space<semaphore_mem>>) src(%dma_wait3A_60 : memref<8192x128xf32, #tpu.memory_space<hbm>>) dst(%dma_wait3A_54 : memref<128x128xf32, #tpu.memory_space<vmem>>)
    %dma_wait3A_61 = arith.constant 1 : i32
    %dma_wait3A_62 = arith.constant 1 : i32
    %dma_wait3A_63 = arith.constant 0 : i32
    %dma_wait3A_64 = arith.constant 0 : i32
    %dma_wait3A_65 = tpu.memref_slice %arg6[%dma_wait3A_62, %dma_wait3A_63, %dma_wait3A_64] : memref<4x128x128xf32, #tpu.memory_space<vmem>> -> memref<1x128x128xf32, #tpu.memory_space<vmem>>
    %dma_wait3A_66 = tpu.memref_squeeze %dma_wait3A_65 : memref<1x128x128xf32, #tpu.memory_space<vmem>> -> memref<128x128xf32, #tpu.memory_space<vmem>>
    %dma_wait3A_67 = arith.constant 0 : i32
    %dma_wait3A_68 = tpu.memref_slice %arg5[%dma_wait3A_61, %dma_wait3A_67] : memref<4x128xi32, #tpu.memory_space<vmem>> -> memref<1x128xi32, #tpu.memory_space<vmem>>
    %dma_wait3A_69 = tpu.memref_squeeze %dma_wait3A_68 : memref<1x128xi32, #tpu.memory_space<vmem>> -> memref<128xi32, #tpu.memory_space<vmem>>
    %dma_wait3A_70 = arith.constant 0 : i32
    %dma_wait3A_71 = arith.constant 0 : i32
    %dma_wait3A_72 = tpu.memref_slice %arg3[%dma_wait3A_70, %dma_wait3A_71] : memref<8192x128xf32, #tpu.memory_space<hbm>> -> memref<8192x128xf32, #tpu.memory_space<hbm>>
    tpu.wait_indirect_dma semaphore(%arg7 : memref<!tpu.dma_semaphore, #tpu.memory_space<semaphore_mem>>) src(%dma_wait3A_72 : memref<8192x128xf32, #tpu.memory_space<hbm>>) dst(%dma_wait3A_66 : memref<128x128xf32, #tpu.memory_space<vmem>>)
    %dma_wait3A_73 = arith.constant 2 : i32
    %dma_wait3A_74 = arith.constant 2 : i32
    %dma_wait3A_75 = arith.constant 0 : i32
    %dma_wait3A_76 = arith.constant 0 : i32
    %dma_wait3A_77 = tpu.memref_slice %arg6[%dma_wait3A_74, %dma_wait3A_75, %dma_wait3A_76] : memref<4x128x128xf32, #tpu.memory_space<vmem>> -> memref<1x128x128xf32, #tpu.memory_space<vmem>>
    %dma_wait3A_78 = tpu.memref_squeeze %dma_wait3A_77 : memref<1x128x128xf32, #tpu.memory_space<vmem>> -> memref<128x128xf32, #tpu.memory_space<vmem>>
    %dma_wait3A_79 = arith.constant 0 : i32
    %dma_wait3A_80 = tpu.memref_slice %arg5[%dma_wait3A_73, %dma_wait3A_79] : memref<4x128xi32, #tpu.memory_space<vmem>> -> memref<1x128xi32, #tpu.memory_space<vmem>>
    %dma_wait3A_81 = tpu.memref_squeeze %dma_wait3A_80 : memref<1x128xi32, #tpu.memory_space<vmem>> -> memref<128xi32, #tpu.memory_space<vmem>>
    %dma_wait3A_82 = arith.constant 0 : i32
    %dma_wait3A_83 = arith.constant 0 : i32
    %dma_wait3A_84 = tpu.memref_slice %arg3[%dma_wait3A_82, %dma_wait3A_83] : memref<8192x128xf32, #tpu.memory_space<hbm>> -> memref<8192x128xf32, #tpu.memory_space<hbm>>
    tpu.wait_indirect_dma semaphore(%arg7 : memref<!tpu.dma_semaphore, #tpu.memory_space<semaphore_mem>>) src(%dma_wait3A_84 : memref<8192x128xf32, #tpu.memory_space<hbm>>) dst(%dma_wait3A_78 : memref<128x128xf32, #tpu.memory_space<vmem>>)
    %dma_wait3A_85 = arith.constant 3 : i32
    %dma_wait3A_86 = arith.constant 3 : i32
    %dma_wait3A_87 = arith.constant 0 : i32
    %dma_wait3A_88 = arith.constant 0 : i32
    %dma_wait3A_89 = tpu.memref_slice %arg6[%dma_wait3A_86, %dma_wait3A_87, %dma_wait3A_88] : memref<4x128x128xf32, #tpu.memory_space<vmem>> -> memref<1x128x128xf32, #tpu.memory_space<vmem>>
    %dma_wait3A_90 = tpu.memref_squeeze %dma_wait3A_89 : memref<1x128x128xf32, #tpu.memory_space<vmem>> -> memref<128x128xf32, #tpu.memory_space<vmem>>
    %dma_wait3A_91 = arith.constant 0 : i32
    %dma_wait3A_92 = tpu.memref_slice %arg5[%dma_wait3A_85, %dma_wait3A_91] : memref<4x128xi32, #tpu.memory_space<vmem>> -> memref<1x128xi32, #tpu.memory_space<vmem>>
    %dma_wait3A_93 = tpu.memref_squeeze %dma_wait3A_92 : memref<1x128xi32, #tpu.memory_space<vmem>> -> memref<128xi32, #tpu.memory_space<vmem>>
    %dma_wait3A_94 = arith.constant 0 : i32
    %dma_wait3A_95 = arith.constant 0 : i32
    %dma_wait3A_96 = tpu.memref_slice %arg3[%dma_wait3A_94, %dma_wait3A_95] : memref<8192x128xf32, #tpu.memory_space<hbm>> -> memref<8192x128xf32, #tpu.memory_space<hbm>>
    tpu.wait_indirect_dma semaphore(%arg7 : memref<!tpu.dma_semaphore, #tpu.memory_space<semaphore_mem>>) src(%dma_wait3A_96 : memref<8192x128xf32, #tpu.memory_space<hbm>>) dst(%dma_wait3A_90 : memref<128x128xf32, #tpu.memory_space<vmem>>)
    "tpu.region"() ({
      %run_scoped3A = tpu.sem_alloc : memref<!tpu.dma_semaphore, #tpu.memory_space<semaphore_mem>>
      %dma_start3A_97 = arith.constant 0 : i32
      %dma_start3A_98 = arith.constant 0 : i32
      %dma_start3A_99 = tpu.memref_slice %arg4[%mul3A_2, %dma_start3A_97, %dma_start3A_98] : memref<128x128x128xf32, #tpu.memory_space<hbm>> -> memref<4x128x128xf32, #tpu.memory_space<hbm>>
      %dma_start3A_100 = arith.constant 0 : i32
      %dma_start3A_101 = arith.constant 0 : i32
      %dma_start3A_102 = tpu.memref_slice %arg4[%mul3A_2, %dma_start3A_100, %dma_start3A_101] : memref<128x128x128xf32, #tpu.memory_space<hbm>> -> memref<4x128x128xf32, #tpu.memory_space<hbm>>
      tpu.enqueue_dma source(%arg6 : memref<4x128x128xf32, #tpu.memory_space<vmem>>) target(%dma_start3A_102 : memref<4x128x128xf32, #tpu.memory_space<hbm>>) target_semaphore(%run_scoped3A : memref<!tpu.dma_semaphore, #tpu.memory_space<semaphore_mem>>)
      %dma_wait3A_103 = arith.constant 0 : i32
      %dma_wait3A_104 = arith.constant 0 : i32
      %dma_wait3A_105 = tpu.memref_slice %arg4[%mul3A_2, %dma_wait3A_103, %dma_wait3A_104] : memref<128x128x128xf32, #tpu.memory_space<hbm>> -> memref<4x128x128xf32, #tpu.memory_space<hbm>>
      %dma_wait3A_106 = arith.constant 0 : i32
      %dma_wait3A_107 = arith.constant 0 : i32
      %dma_wait3A_108 = tpu.memref_slice %arg4[%mul3A_2, %dma_wait3A_106, %dma_wait3A_107] : memref<128x128x128xf32, #tpu.memory_space<hbm>> -> memref<4x128x128xf32, #tpu.memory_space<hbm>>
      tpu.wait_dma2 semaphore(%run_scoped3A : memref<!tpu.dma_semaphore, #tpu.memory_space<semaphore_mem>>) src(%arg6 : memref<4x128x128xf32, #tpu.memory_space<vmem>>) dst(%dma_wait3A_108 : memref<4x128x128xf32, #tpu.memory_space<hbm>>)
      tpu.yield
    }) : () -> ()
    return
  }
}

module attributes {stable_mosaic.version = 14 : i64} {
  func.func @_dist_argmin_body(%arg0: i32, %arg1: memref<1x32x512xf32, #tpu.memory_space<vmem>>, %arg2: memref<32x8192xf32, #tpu.memory_space<vmem>>, %arg3: memref<512x1xi32, #tpu.memory_space<vmem>>, %arg4: memref<1x1xf32, #tpu.memory_space<vmem>>) attributes {dimension_semantics = [#tpu.dimension_semantics<arbitrary>], iteration_bounds = array<i64: 32>, scalar_prefetch = 0 : i64, scratch_operands = 0 : i64, tpu.core_type = #tpu.core_type<tc>, window_params = [{transform_indices = @transform_0, window_bounds = array<i64: 1, 32, 512>}, {pipeline_mode = #tpu.pipeline_mode<synchronous>, transform_indices = @transform_1, window_bounds = array<i64: 32, 8192>}, {transform_indices = @transform_2, window_bounds = array<i64: 512, 1>}, {pipeline_mode = #tpu.pipeline_mode<synchronous>, transform_indices = @transform_3, window_bounds = array<i64: 1, 1>}]} {
    %get3A = arith.constant 0 : index
    %get3A_0 = arith.constant 0 : index
    %get3A_1 = arith.constant 0 : index
    %get3A_2 = vector.load %arg1[%get3A, %get3A_0, %get3A_1] : memref<1x32x512xf32, #tpu.memory_space<vmem>>, vector<1x32x512xf32>
    %squeeze3A = vector.shape_cast %get3A_2 : vector<1x32x512xf32> to vector<32x512xf32>
    %transpose3A = tpu.transpose %squeeze3A, [1, 0] : vector<32x512xf32> -> vector<512x32xf32>
    %get3A_3 = arith.constant 0 : index
    %get3A_4 = arith.constant 0 : index
    %get3A_5 = vector.load %arg2[%get3A_3, %get3A_4] : memref<32x8192xf32, #tpu.memory_space<vmem>>, vector<32x8192xf32>
    %mul3A = arith.mulf %transpose3A, %transpose3A : vector<512x32xf32>
    %reduce_sum3A = arith.constant dense<0.000000e+00> : vector<512xf32>
    %reduce_sum3A_6 = vector.multi_reduction <add>, %mul3A, %reduce_sum3A [1] : vector<512x32xf32> to vector<512xf32>
    %broadcast_in_dim3A = vector.shape_cast %reduce_sum3A_6 : vector<512xf32> to vector<512x1xf32>
    %mul3A_7 = arith.mulf %get3A_5, %get3A_5 : vector<32x8192xf32>
    %reduce_sum3A_8 = arith.constant dense<0.000000e+00> : vector<8192xf32>
    %reduce_sum3A_9 = vector.multi_reduction <add>, %mul3A_7, %reduce_sum3A_8 [0] : vector<32x8192xf32> to vector<8192xf32>
    %broadcast_in_dim3A_10 = vector.shape_cast %reduce_sum3A_9 : vector<8192xf32> to vector<1x8192xf32>
    %mul3A_11 = arith.constant 2.500000e-01 : f32
    %mul3A_12 = vector.broadcast %mul3A_11 : f32 to vector<1x8192xf32>
    %mul3A_13 = arith.mulf %mul3A_12, %broadcast_in_dim3A_10 : vector<1x8192xf32>
    %dot_general3A = arith.constant dense<0.000000e+00> : vector<512x8192xf32>
    %dot_general3A_14 = tpu.matmul %transpose3A, %get3A_5, %dot_general3A {dimension_numbers = #tpu.dot_dimension_numbers<[1], [0], [0], [1], [0, 0, 1, 1], [], []>, transpose_lhs_hint = false} : vector<512x32xf32>, vector<32x8192xf32>, vector<512x8192xf32> -> vector<512x8192xf32>
    %broadcast_in_dim3A_15 = arith.constant 0x7F800000 : f32
    %broadcast_in_dim3A_16 = vector.broadcast %broadcast_in_dim3A_15 : f32 to vector<512x128xf32>
    %broadcast_in_dim3A_17 = arith.constant 0 : i32
    %broadcast_in_dim3A_18 = vector.broadcast %broadcast_in_dim3A_17 : i32 to vector<512x128xi32>
    %slice3A = vector.extract_strided_slice %dot_general3A_14 {offsets = [0, 0], sizes = [512, 128], strides = [1, 1]} : vector<512x8192xf32> to vector<512x128xf32>
    %add3A = vector.broadcast %broadcast_in_dim3A : vector<512x1xf32> to vector<512x128xf32>
    %add3A_19 = arith.addf %add3A, %slice3A : vector<512x128xf32>
    %slice3A_20 = vector.extract_strided_slice %mul3A_13 {offsets = [0, 0], sizes = [1, 128], strides = [1, 1]} : vector<1x8192xf32> to vector<1x128xf32>
    %add3A_21 = vector.broadcast %slice3A_20 : vector<1x128xf32> to vector<512x128xf32>
    %add3A_22 = arith.addf %add3A_19, %add3A_21 : vector<512x128xf32>
    %lt3A = arith.cmpf olt, %add3A_22, %broadcast_in_dim3A_16 : vector<512x128xf32>
    %select_n3A = arith.select %lt3A, %add3A_22, %broadcast_in_dim3A_16 : vector<512x128xi1>, vector<512x128xf32>
    %jit3A = arith.constant 0 : i32
    %broadcast_in_dim3A_23 = vector.broadcast %jit3A : i32 to vector<512x128xi32>
    %select_n3A_24 = arith.select %lt3A, %broadcast_in_dim3A_23, %broadcast_in_dim3A_18 : vector<512x128xi1>, vector<512x128xi32>
    %slice3A_25 = vector.extract_strided_slice %dot_general3A_14 {offsets = [0, 128], sizes = [512, 128], strides = [1, 1]} : vector<512x8192xf32> to vector<512x128xf32>
    %add3A_26 = vector.broadcast %broadcast_in_dim3A : vector<512x1xf32> to vector<512x128xf32>
    %add3A_27 = arith.addf %add3A_26, %slice3A_25 : vector<512x128xf32>
    %slice3A_28 = vector.extract_strided_slice %mul3A_13 {offsets = [0, 128], sizes = [1, 128], strides = [1, 1]} : vector<1x8192xf32> to vector<1x128xf32>
    %add3A_29 = vector.broadcast %slice3A_28 : vector<1x128xf32> to vector<512x128xf32>
    %add3A_30 = arith.addf %add3A_27, %add3A_29 : vector<512x128xf32>
    %lt3A_31 = arith.cmpf olt, %add3A_30, %select_n3A : vector<512x128xf32>
    %select_n3A_32 = arith.select %lt3A_31, %add3A_30, %select_n3A : vector<512x128xi1>, vector<512x128xf32>
    %jit3A_33 = arith.constant 1 : i32
    %broadcast_in_dim3A_34 = vector.broadcast %jit3A_33 : i32 to vector<512x128xi32>
    %select_n3A_35 = arith.select %lt3A_31, %broadcast_in_dim3A_34, %select_n3A_24 : vector<512x128xi1>, vector<512x128xi32>
    %slice3A_36 = vector.extract_strided_slice %dot_general3A_14 {offsets = [0, 256], sizes = [512, 128], strides = [1, 1]} : vector<512x8192xf32> to vector<512x128xf32>
    %add3A_37 = vector.broadcast %broadcast_in_dim3A : vector<512x1xf32> to vector<512x128xf32>
    %add3A_38 = arith.addf %add3A_37, %slice3A_36 : vector<512x128xf32>
    %slice3A_39 = vector.extract_strided_slice %mul3A_13 {offsets = [0, 256], sizes = [1, 128], strides = [1, 1]} : vector<1x8192xf32> to vector<1x128xf32>
    %add3A_40 = vector.broadcast %slice3A_39 : vector<1x128xf32> to vector<512x128xf32>
    %add3A_41 = arith.addf %add3A_38, %add3A_40 : vector<512x128xf32>
    %lt3A_42 = arith.cmpf olt, %add3A_41, %select_n3A_32 : vector<512x128xf32>
    %select_n3A_43 = arith.select %lt3A_42, %add3A_41, %select_n3A_32 : vector<512x128xi1>, vector<512x128xf32>
    %jit3A_44 = arith.constant 2 : i32
    %broadcast_in_dim3A_45 = vector.broadcast %jit3A_44 : i32 to vector<512x128xi32>
    %select_n3A_46 = arith.select %lt3A_42, %broadcast_in_dim3A_45, %select_n3A_35 : vector<512x128xi1>, vector<512x128xi32>
    %slice3A_47 = vector.extract_strided_slice %dot_general3A_14 {offsets = [0, 384], sizes = [512, 128], strides = [1, 1]} : vector<512x8192xf32> to vector<512x128xf32>
    %add3A_48 = vector.broadcast %broadcast_in_dim3A : vector<512x1xf32> to vector<512x128xf32>
    %add3A_49 = arith.addf %add3A_48, %slice3A_47 : vector<512x128xf32>
    %slice3A_50 = vector.extract_strided_slice %mul3A_13 {offsets = [0, 384], sizes = [1, 128], strides = [1, 1]} : vector<1x8192xf32> to vector<1x128xf32>
    %add3A_51 = vector.broadcast %slice3A_50 : vector<1x128xf32> to vector<512x128xf32>
    %add3A_52 = arith.addf %add3A_49, %add3A_51 : vector<512x128xf32>
    %lt3A_53 = arith.cmpf olt, %add3A_52, %select_n3A_43 : vector<512x128xf32>
    %select_n3A_54 = arith.select %lt3A_53, %add3A_52, %select_n3A_43 : vector<512x128xi1>, vector<512x128xf32>
    %jit3A_55 = arith.constant 3 : i32
    %broadcast_in_dim3A_56 = vector.broadcast %jit3A_55 : i32 to vector<512x128xi32>
    %select_n3A_57 = arith.select %lt3A_53, %broadcast_in_dim3A_56, %select_n3A_46 : vector<512x128xi1>, vector<512x128xi32>
    %slice3A_58 = vector.extract_strided_slice %dot_general3A_14 {offsets = [0, 512], sizes = [512, 128], strides = [1, 1]} : vector<512x8192xf32> to vector<512x128xf32>
    %add3A_59 = vector.broadcast %broadcast_in_dim3A : vector<512x1xf32> to vector<512x128xf32>
    %add3A_60 = arith.addf %add3A_59, %slice3A_58 : vector<512x128xf32>
    %slice3A_61 = vector.extract_strided_slice %mul3A_13 {offsets = [0, 512], sizes = [1, 128], strides = [1, 1]} : vector<1x8192xf32> to vector<1x128xf32>
    %add3A_62 = vector.broadcast %slice3A_61 : vector<1x128xf32> to vector<512x128xf32>
    %add3A_63 = arith.addf %add3A_60, %add3A_62 : vector<512x128xf32>
    %lt3A_64 = arith.cmpf olt, %add3A_63, %select_n3A_54 : vector<512x128xf32>
    %select_n3A_65 = arith.select %lt3A_64, %add3A_63, %select_n3A_54 : vector<512x128xi1>, vector<512x128xf32>
    %jit3A_66 = arith.constant 4 : i32
    %broadcast_in_dim3A_67 = vector.broadcast %jit3A_66 : i32 to vector<512x128xi32>
    %select_n3A_68 = arith.select %lt3A_64, %broadcast_in_dim3A_67, %select_n3A_57 : vector<512x128xi1>, vector<512x128xi32>
    %slice3A_69 = vector.extract_strided_slice %dot_general3A_14 {offsets = [0, 640], sizes = [512, 128], strides = [1, 1]} : vector<512x8192xf32> to vector<512x128xf32>
    %add3A_70 = vector.broadcast %broadcast_in_dim3A : vector<512x1xf32> to vector<512x128xf32>
    %add3A_71 = arith.addf %add3A_70, %slice3A_69 : vector<512x128xf32>
    %slice3A_72 = vector.extract_strided_slice %mul3A_13 {offsets = [0, 640], sizes = [1, 128], strides = [1, 1]} : vector<1x8192xf32> to vector<1x128xf32>
    %add3A_73 = vector.broadcast %slice3A_72 : vector<1x128xf32> to vector<512x128xf32>
    %add3A_74 = arith.addf %add3A_71, %add3A_73 : vector<512x128xf32>
    %lt3A_75 = arith.cmpf olt, %add3A_74, %select_n3A_65 : vector<512x128xf32>
    %select_n3A_76 = arith.select %lt3A_75, %add3A_74, %select_n3A_65 : vector<512x128xi1>, vector<512x128xf32>
    %jit3A_77 = arith.constant 5 : i32
    %broadcast_in_dim3A_78 = vector.broadcast %jit3A_77 : i32 to vector<512x128xi32>
    %select_n3A_79 = arith.select %lt3A_75, %broadcast_in_dim3A_78, %select_n3A_68 : vector<512x128xi1>, vector<512x128xi32>
    %slice3A_80 = vector.extract_strided_slice %dot_general3A_14 {offsets = [0, 768], sizes = [512, 128], strides = [1, 1]} : vector<512x8192xf32> to vector<512x128xf32>
    %add3A_81 = vector.broadcast %broadcast_in_dim3A : vector<512x1xf32> to vector<512x128xf32>
    %add3A_82 = arith.addf %add3A_81, %slice3A_80 : vector<512x128xf32>
    %slice3A_83 = vector.extract_strided_slice %mul3A_13 {offsets = [0, 768], sizes = [1, 128], strides = [1, 1]} : vector<1x8192xf32> to vector<1x128xf32>
    %add3A_84 = vector.broadcast %slice3A_83 : vector<1x128xf32> to vector<512x128xf32>
    %add3A_85 = arith.addf %add3A_82, %add3A_84 : vector<512x128xf32>
    %lt3A_86 = arith.cmpf olt, %add3A_85, %select_n3A_76 : vector<512x128xf32>
    %select_n3A_87 = arith.select %lt3A_86, %add3A_85, %select_n3A_76 : vector<512x128xi1>, vector<512x128xf32>
    %jit3A_88 = arith.constant 6 : i32
    %broadcast_in_dim3A_89 = vector.broadcast %jit3A_88 : i32 to vector<512x128xi32>
    %select_n3A_90 = arith.select %lt3A_86, %broadcast_in_dim3A_89, %select_n3A_79 : vector<512x128xi1>, vector<512x128xi32>
    %slice3A_91 = vector.extract_strided_slice %dot_general3A_14 {offsets = [0, 896], sizes = [512, 128], strides = [1, 1]} : vector<512x8192xf32> to vector<512x128xf32>
    %add3A_92 = vector.broadcast %broadcast_in_dim3A : vector<512x1xf32> to vector<512x128xf32>
    %add3A_93 = arith.addf %add3A_92, %slice3A_91 : vector<512x128xf32>
    %slice3A_94 = vector.extract_strided_slice %mul3A_13 {offsets = [0, 896], sizes = [1, 128], strides = [1, 1]} : vector<1x8192xf32> to vector<1x128xf32>
    %add3A_95 = vector.broadcast %slice3A_94 : vector<1x128xf32> to vector<512x128xf32>
    %add3A_96 = arith.addf %add3A_93, %add3A_95 : vector<512x128xf32>
    %lt3A_97 = arith.cmpf olt, %add3A_96, %select_n3A_87 : vector<512x128xf32>
    %select_n3A_98 = arith.select %lt3A_97, %add3A_96, %select_n3A_87 : vector<512x128xi1>, vector<512x128xf32>
    %jit3A_99 = arith.constant 7 : i32
    %broadcast_in_dim3A_100 = vector.broadcast %jit3A_99 : i32 to vector<512x128xi32>
    %select_n3A_101 = arith.select %lt3A_97, %broadcast_in_dim3A_100, %select_n3A_90 : vector<512x128xi1>, vector<512x128xi32>
    %slice3A_102 = vector.extract_strided_slice %dot_general3A_14 {offsets = [0, 1024], sizes = [512, 128], strides = [1, 1]} : vector<512x8192xf32> to vector<512x128xf32>
    %add3A_103 = vector.broadcast %broadcast_in_dim3A : vector<512x1xf32> to vector<512x128xf32>
    %add3A_104 = arith.addf %add3A_103, %slice3A_102 : vector<512x128xf32>
    %slice3A_105 = vector.extract_strided_slice %mul3A_13 {offsets = [0, 1024], sizes = [1, 128], strides = [1, 1]} : vector<1x8192xf32> to vector<1x128xf32>
    %add3A_106 = vector.broadcast %slice3A_105 : vector<1x128xf32> to vector<512x128xf32>
    %add3A_107 = arith.addf %add3A_104, %add3A_106 : vector<512x128xf32>
    %lt3A_108 = arith.cmpf olt, %add3A_107, %select_n3A_98 : vector<512x128xf32>
    %select_n3A_109 = arith.select %lt3A_108, %add3A_107, %select_n3A_98 : vector<512x128xi1>, vector<512x128xf32>
    %jit3A_110 = arith.constant 8 : i32
    %broadcast_in_dim3A_111 = vector.broadcast %jit3A_110 : i32 to vector<512x128xi32>
    %select_n3A_112 = arith.select %lt3A_108, %broadcast_in_dim3A_111, %select_n3A_101 : vector<512x128xi1>, vector<512x128xi32>
    %slice3A_113 = vector.extract_strided_slice %dot_general3A_14 {offsets = [0, 1152], sizes = [512, 128], strides = [1, 1]} : vector<512x8192xf32> to vector<512x128xf32>
    %add3A_114 = vector.broadcast %broadcast_in_dim3A : vector<512x1xf32> to vector<512x128xf32>
    %add3A_115 = arith.addf %add3A_114, %slice3A_113 : vector<512x128xf32>
    %slice3A_116 = vector.extract_strided_slice %mul3A_13 {offsets = [0, 1152], sizes = [1, 128], strides = [1, 1]} : vector<1x8192xf32> to vector<1x128xf32>
    %add3A_117 = vector.broadcast %slice3A_116 : vector<1x128xf32> to vector<512x128xf32>
    %add3A_118 = arith.addf %add3A_115, %add3A_117 : vector<512x128xf32>
    %lt3A_119 = arith.cmpf olt, %add3A_118, %select_n3A_109 : vector<512x128xf32>
    %select_n3A_120 = arith.select %lt3A_119, %add3A_118, %select_n3A_109 : vector<512x128xi1>, vector<512x128xf32>
    %jit3A_121 = arith.constant 9 : i32
    %broadcast_in_dim3A_122 = vector.broadcast %jit3A_121 : i32 to vector<512x128xi32>
    %select_n3A_123 = arith.select %lt3A_119, %broadcast_in_dim3A_122, %select_n3A_112 : vector<512x128xi1>, vector<512x128xi32>
    %slice3A_124 = vector.extract_strided_slice %dot_general3A_14 {offsets = [0, 1280], sizes = [512, 128], strides = [1, 1]} : vector<512x8192xf32> to vector<512x128xf32>
    %add3A_125 = vector.broadcast %broadcast_in_dim3A : vector<512x1xf32> to vector<512x128xf32>
    %add3A_126 = arith.addf %add3A_125, %slice3A_124 : vector<512x128xf32>
    %slice3A_127 = vector.extract_strided_slice %mul3A_13 {offsets = [0, 1280], sizes = [1, 128], strides = [1, 1]} : vector<1x8192xf32> to vector<1x128xf32>
    %add3A_128 = vector.broadcast %slice3A_127 : vector<1x128xf32> to vector<512x128xf32>
    %add3A_129 = arith.addf %add3A_126, %add3A_128 : vector<512x128xf32>
    %lt3A_130 = arith.cmpf olt, %add3A_129, %select_n3A_120 : vector<512x128xf32>
    %select_n3A_131 = arith.select %lt3A_130, %add3A_129, %select_n3A_120 : vector<512x128xi1>, vector<512x128xf32>
    %jit3A_132 = arith.constant 10 : i32
    %broadcast_in_dim3A_133 = vector.broadcast %jit3A_132 : i32 to vector<512x128xi32>
    %select_n3A_134 = arith.select %lt3A_130, %broadcast_in_dim3A_133, %select_n3A_123 : vector<512x128xi1>, vector<512x128xi32>
    %slice3A_135 = vector.extract_strided_slice %dot_general3A_14 {offsets = [0, 1408], sizes = [512, 128], strides = [1, 1]} : vector<512x8192xf32> to vector<512x128xf32>
    %add3A_136 = vector.broadcast %broadcast_in_dim3A : vector<512x1xf32> to vector<512x128xf32>
    %add3A_137 = arith.addf %add3A_136, %slice3A_135 : vector<512x128xf32>
    %slice3A_138 = vector.extract_strided_slice %mul3A_13 {offsets = [0, 1408], sizes = [1, 128], strides = [1, 1]} : vector<1x8192xf32> to vector<1x128xf32>
    %add3A_139 = vector.broadcast %slice3A_138 : vector<1x128xf32> to vector<512x128xf32>
    %add3A_140 = arith.addf %add3A_137, %add3A_139 : vector<512x128xf32>
    %lt3A_141 = arith.cmpf olt, %add3A_140, %select_n3A_131 : vector<512x128xf32>
    %select_n3A_142 = arith.select %lt3A_141, %add3A_140, %select_n3A_131 : vector<512x128xi1>, vector<512x128xf32>
    %jit3A_143 = arith.constant 11 : i32
    %broadcast_in_dim3A_144 = vector.broadcast %jit3A_143 : i32 to vector<512x128xi32>
    %select_n3A_145 = arith.select %lt3A_141, %broadcast_in_dim3A_144, %select_n3A_134 : vector<512x128xi1>, vector<512x128xi32>
    %slice3A_146 = vector.extract_strided_slice %dot_general3A_14 {offsets = [0, 1536], sizes = [512, 128], strides = [1, 1]} : vector<512x8192xf32> to vector<512x128xf32>
    %add3A_147 = vector.broadcast %broadcast_in_dim3A : vector<512x1xf32> to vector<512x128xf32>
    %add3A_148 = arith.addf %add3A_147, %slice3A_146 : vector<512x128xf32>
    %slice3A_149 = vector.extract_strided_slice %mul3A_13 {offsets = [0, 1536], sizes = [1, 128], strides = [1, 1]} : vector<1x8192xf32> to vector<1x128xf32>
    %add3A_150 = vector.broadcast %slice3A_149 : vector<1x128xf32> to vector<512x128xf32>
    %add3A_151 = arith.addf %add3A_148, %add3A_150 : vector<512x128xf32>
    %lt3A_152 = arith.cmpf olt, %add3A_151, %select_n3A_142 : vector<512x128xf32>
    %select_n3A_153 = arith.select %lt3A_152, %add3A_151, %select_n3A_142 : vector<512x128xi1>, vector<512x128xf32>
    %jit3A_154 = arith.constant 12 : i32
    %broadcast_in_dim3A_155 = vector.broadcast %jit3A_154 : i32 to vector<512x128xi32>
    %select_n3A_156 = arith.select %lt3A_152, %broadcast_in_dim3A_155, %select_n3A_145 : vector<512x128xi1>, vector<512x128xi32>
    %slice3A_157 = vector.extract_strided_slice %dot_general3A_14 {offsets = [0, 1664], sizes = [512, 128], strides = [1, 1]} : vector<512x8192xf32> to vector<512x128xf32>
    %add3A_158 = vector.broadcast %broadcast_in_dim3A : vector<512x1xf32> to vector<512x128xf32>
    %add3A_159 = arith.addf %add3A_158, %slice3A_157 : vector<512x128xf32>
    %slice3A_160 = vector.extract_strided_slice %mul3A_13 {offsets = [0, 1664], sizes = [1, 128], strides = [1, 1]} : vector<1x8192xf32> to vector<1x128xf32>
    %add3A_161 = vector.broadcast %slice3A_160 : vector<1x128xf32> to vector<512x128xf32>
    %add3A_162 = arith.addf %add3A_159, %add3A_161 : vector<512x128xf32>
    %lt3A_163 = arith.cmpf olt, %add3A_162, %select_n3A_153 : vector<512x128xf32>
    %select_n3A_164 = arith.select %lt3A_163, %add3A_162, %select_n3A_153 : vector<512x128xi1>, vector<512x128xf32>
    %jit3A_165 = arith.constant 13 : i32
    %broadcast_in_dim3A_166 = vector.broadcast %jit3A_165 : i32 to vector<512x128xi32>
    %select_n3A_167 = arith.select %lt3A_163, %broadcast_in_dim3A_166, %select_n3A_156 : vector<512x128xi1>, vector<512x128xi32>
    %slice3A_168 = vector.extract_strided_slice %dot_general3A_14 {offsets = [0, 1792], sizes = [512, 128], strides = [1, 1]} : vector<512x8192xf32> to vector<512x128xf32>
    %add3A_169 = vector.broadcast %broadcast_in_dim3A : vector<512x1xf32> to vector<512x128xf32>
    %add3A_170 = arith.addf %add3A_169, %slice3A_168 : vector<512x128xf32>
    %slice3A_171 = vector.extract_strided_slice %mul3A_13 {offsets = [0, 1792], sizes = [1, 128], strides = [1, 1]} : vector<1x8192xf32> to vector<1x128xf32>
    %add3A_172 = vector.broadcast %slice3A_171 : vector<1x128xf32> to vector<512x128xf32>
    %add3A_173 = arith.addf %add3A_170, %add3A_172 : vector<512x128xf32>
    %lt3A_174 = arith.cmpf olt, %add3A_173, %select_n3A_164 : vector<512x128xf32>
    %select_n3A_175 = arith.select %lt3A_174, %add3A_173, %select_n3A_164 : vector<512x128xi1>, vector<512x128xf32>
    %jit3A_176 = arith.constant 14 : i32
    %broadcast_in_dim3A_177 = vector.broadcast %jit3A_176 : i32 to vector<512x128xi32>
    %select_n3A_178 = arith.select %lt3A_174, %broadcast_in_dim3A_177, %select_n3A_167 : vector<512x128xi1>, vector<512x128xi32>
    %slice3A_179 = vector.extract_strided_slice %dot_general3A_14 {offsets = [0, 1920], sizes = [512, 128], strides = [1, 1]} : vector<512x8192xf32> to vector<512x128xf32>
    %add3A_180 = vector.broadcast %broadcast_in_dim3A : vector<512x1xf32> to vector<512x128xf32>
    %add3A_181 = arith.addf %add3A_180, %slice3A_179 : vector<512x128xf32>
    %slice3A_182 = vector.extract_strided_slice %mul3A_13 {offsets = [0, 1920], sizes = [1, 128], strides = [1, 1]} : vector<1x8192xf32> to vector<1x128xf32>
    %add3A_183 = vector.broadcast %slice3A_182 : vector<1x128xf32> to vector<512x128xf32>
    %add3A_184 = arith.addf %add3A_181, %add3A_183 : vector<512x128xf32>
    %lt3A_185 = arith.cmpf olt, %add3A_184, %select_n3A_175 : vector<512x128xf32>
    %select_n3A_186 = arith.select %lt3A_185, %add3A_184, %select_n3A_175 : vector<512x128xi1>, vector<512x128xf32>
    %jit3A_187 = arith.constant 15 : i32
    %broadcast_in_dim3A_188 = vector.broadcast %jit3A_187 : i32 to vector<512x128xi32>
    %select_n3A_189 = arith.select %lt3A_185, %broadcast_in_dim3A_188, %select_n3A_178 : vector<512x128xi1>, vector<512x128xi32>
    %slice3A_190 = vector.extract_strided_slice %dot_general3A_14 {offsets = [0, 2048], sizes = [512, 128], strides = [1, 1]} : vector<512x8192xf32> to vector<512x128xf32>
    %add3A_191 = vector.broadcast %broadcast_in_dim3A : vector<512x1xf32> to vector<512x128xf32>
    %add3A_192 = arith.addf %add3A_191, %slice3A_190 : vector<512x128xf32>
    %slice3A_193 = vector.extract_strided_slice %mul3A_13 {offsets = [0, 2048], sizes = [1, 128], strides = [1, 1]} : vector<1x8192xf32> to vector<1x128xf32>
    %add3A_194 = vector.broadcast %slice3A_193 : vector<1x128xf32> to vector<512x128xf32>
    %add3A_195 = arith.addf %add3A_192, %add3A_194 : vector<512x128xf32>
    %lt3A_196 = arith.cmpf olt, %add3A_195, %select_n3A_186 : vector<512x128xf32>
    %select_n3A_197 = arith.select %lt3A_196, %add3A_195, %select_n3A_186 : vector<512x128xi1>, vector<512x128xf32>
    %jit3A_198 = arith.constant 16 : i32
    %broadcast_in_dim3A_199 = vector.broadcast %jit3A_198 : i32 to vector<512x128xi32>
    %select_n3A_200 = arith.select %lt3A_196, %broadcast_in_dim3A_199, %select_n3A_189 : vector<512x128xi1>, vector<512x128xi32>
    %slice3A_201 = vector.extract_strided_slice %dot_general3A_14 {offsets = [0, 2176], sizes = [512, 128], strides = [1, 1]} : vector<512x8192xf32> to vector<512x128xf32>
    %add3A_202 = vector.broadcast %broadcast_in_dim3A : vector<512x1xf32> to vector<512x128xf32>
    %add3A_203 = arith.addf %add3A_202, %slice3A_201 : vector<512x128xf32>
    %slice3A_204 = vector.extract_strided_slice %mul3A_13 {offsets = [0, 2176], sizes = [1, 128], strides = [1, 1]} : vector<1x8192xf32> to vector<1x128xf32>
    %add3A_205 = vector.broadcast %slice3A_204 : vector<1x128xf32> to vector<512x128xf32>
    %add3A_206 = arith.addf %add3A_203, %add3A_205 : vector<512x128xf32>
    %lt3A_207 = arith.cmpf olt, %add3A_206, %select_n3A_197 : vector<512x128xf32>
    %select_n3A_208 = arith.select %lt3A_207, %add3A_206, %select_n3A_197 : vector<512x128xi1>, vector<512x128xf32>
    %jit3A_209 = arith.constant 17 : i32
    %broadcast_in_dim3A_210 = vector.broadcast %jit3A_209 : i32 to vector<512x128xi32>
    %select_n3A_211 = arith.select %lt3A_207, %broadcast_in_dim3A_210, %select_n3A_200 : vector<512x128xi1>, vector<512x128xi32>
    %slice3A_212 = vector.extract_strided_slice %dot_general3A_14 {offsets = [0, 2304], sizes = [512, 128], strides = [1, 1]} : vector<512x8192xf32> to vector<512x128xf32>
    %add3A_213 = vector.broadcast %broadcast_in_dim3A : vector<512x1xf32> to vector<512x128xf32>
    %add3A_214 = arith.addf %add3A_213, %slice3A_212 : vector<512x128xf32>
    %slice3A_215 = vector.extract_strided_slice %mul3A_13 {offsets = [0, 2304], sizes = [1, 128], strides = [1, 1]} : vector<1x8192xf32> to vector<1x128xf32>
    %add3A_216 = vector.broadcast %slice3A_215 : vector<1x128xf32> to vector<512x128xf32>
    %add3A_217 = arith.addf %add3A_214, %add3A_216 : vector<512x128xf32>
    %lt3A_218 = arith.cmpf olt, %add3A_217, %select_n3A_208 : vector<512x128xf32>
    %select_n3A_219 = arith.select %lt3A_218, %add3A_217, %select_n3A_208 : vector<512x128xi1>, vector<512x128xf32>
    %jit3A_220 = arith.constant 18 : i32
    %broadcast_in_dim3A_221 = vector.broadcast %jit3A_220 : i32 to vector<512x128xi32>
    %select_n3A_222 = arith.select %lt3A_218, %broadcast_in_dim3A_221, %select_n3A_211 : vector<512x128xi1>, vector<512x128xi32>
    %slice3A_223 = vector.extract_strided_slice %dot_general3A_14 {offsets = [0, 2432], sizes = [512, 128], strides = [1, 1]} : vector<512x8192xf32> to vector<512x128xf32>
    %add3A_224 = vector.broadcast %broadcast_in_dim3A : vector<512x1xf32> to vector<512x128xf32>
    %add3A_225 = arith.addf %add3A_224, %slice3A_223 : vector<512x128xf32>
    %slice3A_226 = vector.extract_strided_slice %mul3A_13 {offsets = [0, 2432], sizes = [1, 128], strides = [1, 1]} : vector<1x8192xf32> to vector<1x128xf32>
    %add3A_227 = vector.broadcast %slice3A_226 : vector<1x128xf32> to vector<512x128xf32>
    %add3A_228 = arith.addf %add3A_225, %add3A_227 : vector<512x128xf32>
    %lt3A_229 = arith.cmpf olt, %add3A_228, %select_n3A_219 : vector<512x128xf32>
    %select_n3A_230 = arith.select %lt3A_229, %add3A_228, %select_n3A_219 : vector<512x128xi1>, vector<512x128xf32>
    %jit3A_231 = arith.constant 19 : i32
    %broadcast_in_dim3A_232 = vector.broadcast %jit3A_231 : i32 to vector<512x128xi32>
    %select_n3A_233 = arith.select %lt3A_229, %broadcast_in_dim3A_232, %select_n3A_222 : vector<512x128xi1>, vector<512x128xi32>
    %slice3A_234 = vector.extract_strided_slice %dot_general3A_14 {offsets = [0, 2560], sizes = [512, 128], strides = [1, 1]} : vector<512x8192xf32> to vector<512x128xf32>
    %add3A_235 = vector.broadcast %broadcast_in_dim3A : vector<512x1xf32> to vector<512x128xf32>
    %add3A_236 = arith.addf %add3A_235, %slice3A_234 : vector<512x128xf32>
    %slice3A_237 = vector.extract_strided_slice %mul3A_13 {offsets = [0, 2560], sizes = [1, 128], strides = [1, 1]} : vector<1x8192xf32> to vector<1x128xf32>
    %add3A_238 = vector.broadcast %slice3A_237 : vector<1x128xf32> to vector<512x128xf32>
    %add3A_239 = arith.addf %add3A_236, %add3A_238 : vector<512x128xf32>
    %lt3A_240 = arith.cmpf olt, %add3A_239, %select_n3A_230 : vector<512x128xf32>
    %select_n3A_241 = arith.select %lt3A_240, %add3A_239, %select_n3A_230 : vector<512x128xi1>, vector<512x128xf32>
    %jit3A_242 = arith.constant 20 : i32
    %broadcast_in_dim3A_243 = vector.broadcast %jit3A_242 : i32 to vector<512x128xi32>
    %select_n3A_244 = arith.select %lt3A_240, %broadcast_in_dim3A_243, %select_n3A_233 : vector<512x128xi1>, vector<512x128xi32>
    %slice3A_245 = vector.extract_strided_slice %dot_general3A_14 {offsets = [0, 2688], sizes = [512, 128], strides = [1, 1]} : vector<512x8192xf32> to vector<512x128xf32>
    %add3A_246 = vector.broadcast %broadcast_in_dim3A : vector<512x1xf32> to vector<512x128xf32>
    %add3A_247 = arith.addf %add3A_246, %slice3A_245 : vector<512x128xf32>
    %slice3A_248 = vector.extract_strided_slice %mul3A_13 {offsets = [0, 2688], sizes = [1, 128], strides = [1, 1]} : vector<1x8192xf32> to vector<1x128xf32>
    %add3A_249 = vector.broadcast %slice3A_248 : vector<1x128xf32> to vector<512x128xf32>
    %add3A_250 = arith.addf %add3A_247, %add3A_249 : vector<512x128xf32>
    %lt3A_251 = arith.cmpf olt, %add3A_250, %select_n3A_241 : vector<512x128xf32>
    %select_n3A_252 = arith.select %lt3A_251, %add3A_250, %select_n3A_241 : vector<512x128xi1>, vector<512x128xf32>
    %jit3A_253 = arith.constant 21 : i32
    %broadcast_in_dim3A_254 = vector.broadcast %jit3A_253 : i32 to vector<512x128xi32>
    %select_n3A_255 = arith.select %lt3A_251, %broadcast_in_dim3A_254, %select_n3A_244 : vector<512x128xi1>, vector<512x128xi32>
    %slice3A_256 = vector.extract_strided_slice %dot_general3A_14 {offsets = [0, 2816], sizes = [512, 128], strides = [1, 1]} : vector<512x8192xf32> to vector<512x128xf32>
    %add3A_257 = vector.broadcast %broadcast_in_dim3A : vector<512x1xf32> to vector<512x128xf32>
    %add3A_258 = arith.addf %add3A_257, %slice3A_256 : vector<512x128xf32>
    %slice3A_259 = vector.extract_strided_slice %mul3A_13 {offsets = [0, 2816], sizes = [1, 128], strides = [1, 1]} : vector<1x8192xf32> to vector<1x128xf32>
    %add3A_260 = vector.broadcast %slice3A_259 : vector<1x128xf32> to vector<512x128xf32>
    %add3A_261 = arith.addf %add3A_258, %add3A_260 : vector<512x128xf32>
    %lt3A_262 = arith.cmpf olt, %add3A_261, %select_n3A_252 : vector<512x128xf32>
    %select_n3A_263 = arith.select %lt3A_262, %add3A_261, %select_n3A_252 : vector<512x128xi1>, vector<512x128xf32>
    %jit3A_264 = arith.constant 22 : i32
    %broadcast_in_dim3A_265 = vector.broadcast %jit3A_264 : i32 to vector<512x128xi32>
    %select_n3A_266 = arith.select %lt3A_262, %broadcast_in_dim3A_265, %select_n3A_255 : vector<512x128xi1>, vector<512x128xi32>
    %slice3A_267 = vector.extract_strided_slice %dot_general3A_14 {offsets = [0, 2944], sizes = [512, 128], strides = [1, 1]} : vector<512x8192xf32> to vector<512x128xf32>
    %add3A_268 = vector.broadcast %broadcast_in_dim3A : vector<512x1xf32> to vector<512x128xf32>
    %add3A_269 = arith.addf %add3A_268, %slice3A_267 : vector<512x128xf32>
    %slice3A_270 = vector.extract_strided_slice %mul3A_13 {offsets = [0, 2944], sizes = [1, 128], strides = [1, 1]} : vector<1x8192xf32> to vector<1x128xf32>
    %add3A_271 = vector.broadcast %slice3A_270 : vector<1x128xf32> to vector<512x128xf32>
    %add3A_272 = arith.addf %add3A_269, %add3A_271 : vector<512x128xf32>
    %lt3A_273 = arith.cmpf olt, %add3A_272, %select_n3A_263 : vector<512x128xf32>
    %select_n3A_274 = arith.select %lt3A_273, %add3A_272, %select_n3A_263 : vector<512x128xi1>, vector<512x128xf32>
    %jit3A_275 = arith.constant 23 : i32
    %broadcast_in_dim3A_276 = vector.broadcast %jit3A_275 : i32 to vector<512x128xi32>
    %select_n3A_277 = arith.select %lt3A_273, %broadcast_in_dim3A_276, %select_n3A_266 : vector<512x128xi1>, vector<512x128xi32>
    %slice3A_278 = vector.extract_strided_slice %dot_general3A_14 {offsets = [0, 3072], sizes = [512, 128], strides = [1, 1]} : vector<512x8192xf32> to vector<512x128xf32>
    %add3A_279 = vector.broadcast %broadcast_in_dim3A : vector<512x1xf32> to vector<512x128xf32>
    %add3A_280 = arith.addf %add3A_279, %slice3A_278 : vector<512x128xf32>
    %slice3A_281 = vector.extract_strided_slice %mul3A_13 {offsets = [0, 3072], sizes = [1, 128], strides = [1, 1]} : vector<1x8192xf32> to vector<1x128xf32>
    %add3A_282 = vector.broadcast %slice3A_281 : vector<1x128xf32> to vector<512x128xf32>
    %add3A_283 = arith.addf %add3A_280, %add3A_282 : vector<512x128xf32>
    %lt3A_284 = arith.cmpf olt, %add3A_283, %select_n3A_274 : vector<512x128xf32>
    %select_n3A_285 = arith.select %lt3A_284, %add3A_283, %select_n3A_274 : vector<512x128xi1>, vector<512x128xf32>
    %jit3A_286 = arith.constant 24 : i32
    %broadcast_in_dim3A_287 = vector.broadcast %jit3A_286 : i32 to vector<512x128xi32>
    %select_n3A_288 = arith.select %lt3A_284, %broadcast_in_dim3A_287, %select_n3A_277 : vector<512x128xi1>, vector<512x128xi32>
    %slice3A_289 = vector.extract_strided_slice %dot_general3A_14 {offsets = [0, 3200], sizes = [512, 128], strides = [1, 1]} : vector<512x8192xf32> to vector<512x128xf32>
    %add3A_290 = vector.broadcast %broadcast_in_dim3A : vector<512x1xf32> to vector<512x128xf32>
    %add3A_291 = arith.addf %add3A_290, %slice3A_289 : vector<512x128xf32>
    %slice3A_292 = vector.extract_strided_slice %mul3A_13 {offsets = [0, 3200], sizes = [1, 128], strides = [1, 1]} : vector<1x8192xf32> to vector<1x128xf32>
    %add3A_293 = vector.broadcast %slice3A_292 : vector<1x128xf32> to vector<512x128xf32>
    %add3A_294 = arith.addf %add3A_291, %add3A_293 : vector<512x128xf32>
    %lt3A_295 = arith.cmpf olt, %add3A_294, %select_n3A_285 : vector<512x128xf32>
    %select_n3A_296 = arith.select %lt3A_295, %add3A_294, %select_n3A_285 : vector<512x128xi1>, vector<512x128xf32>
    %jit3A_297 = arith.constant 25 : i32
    %broadcast_in_dim3A_298 = vector.broadcast %jit3A_297 : i32 to vector<512x128xi32>
    %select_n3A_299 = arith.select %lt3A_295, %broadcast_in_dim3A_298, %select_n3A_288 : vector<512x128xi1>, vector<512x128xi32>
    %slice3A_300 = vector.extract_strided_slice %dot_general3A_14 {offsets = [0, 3328], sizes = [512, 128], strides = [1, 1]} : vector<512x8192xf32> to vector<512x128xf32>
    %add3A_301 = vector.broadcast %broadcast_in_dim3A : vector<512x1xf32> to vector<512x128xf32>
    %add3A_302 = arith.addf %add3A_301, %slice3A_300 : vector<512x128xf32>
    %slice3A_303 = vector.extract_strided_slice %mul3A_13 {offsets = [0, 3328], sizes = [1, 128], strides = [1, 1]} : vector<1x8192xf32> to vector<1x128xf32>
    %add3A_304 = vector.broadcast %slice3A_303 : vector<1x128xf32> to vector<512x128xf32>
    %add3A_305 = arith.addf %add3A_302, %add3A_304 : vector<512x128xf32>
    %lt3A_306 = arith.cmpf olt, %add3A_305, %select_n3A_296 : vector<512x128xf32>
    %select_n3A_307 = arith.select %lt3A_306, %add3A_305, %select_n3A_296 : vector<512x128xi1>, vector<512x128xf32>
    %jit3A_308 = arith.constant 26 : i32
    %broadcast_in_dim3A_309 = vector.broadcast %jit3A_308 : i32 to vector<512x128xi32>
    %select_n3A_310 = arith.select %lt3A_306, %broadcast_in_dim3A_309, %select_n3A_299 : vector<512x128xi1>, vector<512x128xi32>
    %slice3A_311 = vector.extract_strided_slice %dot_general3A_14 {offsets = [0, 3456], sizes = [512, 128], strides = [1, 1]} : vector<512x8192xf32> to vector<512x128xf32>
    %add3A_312 = vector.broadcast %broadcast_in_dim3A : vector<512x1xf32> to vector<512x128xf32>
    %add3A_313 = arith.addf %add3A_312, %slice3A_311 : vector<512x128xf32>
    %slice3A_314 = vector.extract_strided_slice %mul3A_13 {offsets = [0, 3456], sizes = [1, 128], strides = [1, 1]} : vector<1x8192xf32> to vector<1x128xf32>
    %add3A_315 = vector.broadcast %slice3A_314 : vector<1x128xf32> to vector<512x128xf32>
    %add3A_316 = arith.addf %add3A_313, %add3A_315 : vector<512x128xf32>
    %lt3A_317 = arith.cmpf olt, %add3A_316, %select_n3A_307 : vector<512x128xf32>
    %select_n3A_318 = arith.select %lt3A_317, %add3A_316, %select_n3A_307 : vector<512x128xi1>, vector<512x128xf32>
    %jit3A_319 = arith.constant 27 : i32
    %broadcast_in_dim3A_320 = vector.broadcast %jit3A_319 : i32 to vector<512x128xi32>
    %select_n3A_321 = arith.select %lt3A_317, %broadcast_in_dim3A_320, %select_n3A_310 : vector<512x128xi1>, vector<512x128xi32>
    %slice3A_322 = vector.extract_strided_slice %dot_general3A_14 {offsets = [0, 3584], sizes = [512, 128], strides = [1, 1]} : vector<512x8192xf32> to vector<512x128xf32>
    %add3A_323 = vector.broadcast %broadcast_in_dim3A : vector<512x1xf32> to vector<512x128xf32>
    %add3A_324 = arith.addf %add3A_323, %slice3A_322 : vector<512x128xf32>
    %slice3A_325 = vector.extract_strided_slice %mul3A_13 {offsets = [0, 3584], sizes = [1, 128], strides = [1, 1]} : vector<1x8192xf32> to vector<1x128xf32>
    %add3A_326 = vector.broadcast %slice3A_325 : vector<1x128xf32> to vector<512x128xf32>
    %add3A_327 = arith.addf %add3A_324, %add3A_326 : vector<512x128xf32>
    %lt3A_328 = arith.cmpf olt, %add3A_327, %select_n3A_318 : vector<512x128xf32>
    %select_n3A_329 = arith.select %lt3A_328, %add3A_327, %select_n3A_318 : vector<512x128xi1>, vector<512x128xf32>
    %jit3A_330 = arith.constant 28 : i32
    %broadcast_in_dim3A_331 = vector.broadcast %jit3A_330 : i32 to vector<512x128xi32>
    %select_n3A_332 = arith.select %lt3A_328, %broadcast_in_dim3A_331, %select_n3A_321 : vector<512x128xi1>, vector<512x128xi32>
    %slice3A_333 = vector.extract_strided_slice %dot_general3A_14 {offsets = [0, 3712], sizes = [512, 128], strides = [1, 1]} : vector<512x8192xf32> to vector<512x128xf32>
    %add3A_334 = vector.broadcast %broadcast_in_dim3A : vector<512x1xf32> to vector<512x128xf32>
    %add3A_335 = arith.addf %add3A_334, %slice3A_333 : vector<512x128xf32>
    %slice3A_336 = vector.extract_strided_slice %mul3A_13 {offsets = [0, 3712], sizes = [1, 128], strides = [1, 1]} : vector<1x8192xf32> to vector<1x128xf32>
    %add3A_337 = vector.broadcast %slice3A_336 : vector<1x128xf32> to vector<512x128xf32>
    %add3A_338 = arith.addf %add3A_335, %add3A_337 : vector<512x128xf32>
    %lt3A_339 = arith.cmpf olt, %add3A_338, %select_n3A_329 : vector<512x128xf32>
    %select_n3A_340 = arith.select %lt3A_339, %add3A_338, %select_n3A_329 : vector<512x128xi1>, vector<512x128xf32>
    %jit3A_341 = arith.constant 29 : i32
    %broadcast_in_dim3A_342 = vector.broadcast %jit3A_341 : i32 to vector<512x128xi32>
    %select_n3A_343 = arith.select %lt3A_339, %broadcast_in_dim3A_342, %select_n3A_332 : vector<512x128xi1>, vector<512x128xi32>
    %slice3A_344 = vector.extract_strided_slice %dot_general3A_14 {offsets = [0, 3840], sizes = [512, 128], strides = [1, 1]} : vector<512x8192xf32> to vector<512x128xf32>
    %add3A_345 = vector.broadcast %broadcast_in_dim3A : vector<512x1xf32> to vector<512x128xf32>
    %add3A_346 = arith.addf %add3A_345, %slice3A_344 : vector<512x128xf32>
    %slice3A_347 = vector.extract_strided_slice %mul3A_13 {offsets = [0, 3840], sizes = [1, 128], strides = [1, 1]} : vector<1x8192xf32> to vector<1x128xf32>
    %add3A_348 = vector.broadcast %slice3A_347 : vector<1x128xf32> to vector<512x128xf32>
    %add3A_349 = arith.addf %add3A_346, %add3A_348 : vector<512x128xf32>
    %lt3A_350 = arith.cmpf olt, %add3A_349, %select_n3A_340 : vector<512x128xf32>
    %select_n3A_351 = arith.select %lt3A_350, %add3A_349, %select_n3A_340 : vector<512x128xi1>, vector<512x128xf32>
    %jit3A_352 = arith.constant 30 : i32
    %broadcast_in_dim3A_353 = vector.broadcast %jit3A_352 : i32 to vector<512x128xi32>
    %select_n3A_354 = arith.select %lt3A_350, %broadcast_in_dim3A_353, %select_n3A_343 : vector<512x128xi1>, vector<512x128xi32>
    %slice3A_355 = vector.extract_strided_slice %dot_general3A_14 {offsets = [0, 3968], sizes = [512, 128], strides = [1, 1]} : vector<512x8192xf32> to vector<512x128xf32>
    %add3A_356 = vector.broadcast %broadcast_in_dim3A : vector<512x1xf32> to vector<512x128xf32>
    %add3A_357 = arith.addf %add3A_356, %slice3A_355 : vector<512x128xf32>
    %slice3A_358 = vector.extract_strided_slice %mul3A_13 {offsets = [0, 3968], sizes = [1, 128], strides = [1, 1]} : vector<1x8192xf32> to vector<1x128xf32>
    %add3A_359 = vector.broadcast %slice3A_358 : vector<1x128xf32> to vector<512x128xf32>
    %add3A_360 = arith.addf %add3A_357, %add3A_359 : vector<512x128xf32>
    %lt3A_361 = arith.cmpf olt, %add3A_360, %select_n3A_351 : vector<512x128xf32>
    %select_n3A_362 = arith.select %lt3A_361, %add3A_360, %select_n3A_351 : vector<512x128xi1>, vector<512x128xf32>
    %jit3A_363 = arith.constant 31 : i32
    %broadcast_in_dim3A_364 = vector.broadcast %jit3A_363 : i32 to vector<512x128xi32>
    %select_n3A_365 = arith.select %lt3A_361, %broadcast_in_dim3A_364, %select_n3A_354 : vector<512x128xi1>, vector<512x128xi32>
    %slice3A_366 = vector.extract_strided_slice %dot_general3A_14 {offsets = [0, 4096], sizes = [512, 128], strides = [1, 1]} : vector<512x8192xf32> to vector<512x128xf32>
    %add3A_367 = vector.broadcast %broadcast_in_dim3A : vector<512x1xf32> to vector<512x128xf32>
    %add3A_368 = arith.addf %add3A_367, %slice3A_366 : vector<512x128xf32>
    %slice3A_369 = vector.extract_strided_slice %mul3A_13 {offsets = [0, 4096], sizes = [1, 128], strides = [1, 1]} : vector<1x8192xf32> to vector<1x128xf32>
    %add3A_370 = vector.broadcast %slice3A_369 : vector<1x128xf32> to vector<512x128xf32>
    %add3A_371 = arith.addf %add3A_368, %add3A_370 : vector<512x128xf32>
    %lt3A_372 = arith.cmpf olt, %add3A_371, %select_n3A_362 : vector<512x128xf32>
    %select_n3A_373 = arith.select %lt3A_372, %add3A_371, %select_n3A_362 : vector<512x128xi1>, vector<512x128xf32>
    %jit3A_374 = arith.constant 32 : i32
    %broadcast_in_dim3A_375 = vector.broadcast %jit3A_374 : i32 to vector<512x128xi32>
    %select_n3A_376 = arith.select %lt3A_372, %broadcast_in_dim3A_375, %select_n3A_365 : vector<512x128xi1>, vector<512x128xi32>
    %slice3A_377 = vector.extract_strided_slice %dot_general3A_14 {offsets = [0, 4224], sizes = [512, 128], strides = [1, 1]} : vector<512x8192xf32> to vector<512x128xf32>
    %add3A_378 = vector.broadcast %broadcast_in_dim3A : vector<512x1xf32> to vector<512x128xf32>
    %add3A_379 = arith.addf %add3A_378, %slice3A_377 : vector<512x128xf32>
    %slice3A_380 = vector.extract_strided_slice %mul3A_13 {offsets = [0, 4224], sizes = [1, 128], strides = [1, 1]} : vector<1x8192xf32> to vector<1x128xf32>
    %add3A_381 = vector.broadcast %slice3A_380 : vector<1x128xf32> to vector<512x128xf32>
    %add3A_382 = arith.addf %add3A_379, %add3A_381 : vector<512x128xf32>
    %lt3A_383 = arith.cmpf olt, %add3A_382, %select_n3A_373 : vector<512x128xf32>
    %select_n3A_384 = arith.select %lt3A_383, %add3A_382, %select_n3A_373 : vector<512x128xi1>, vector<512x128xf32>
    %jit3A_385 = arith.constant 33 : i32
    %broadcast_in_dim3A_386 = vector.broadcast %jit3A_385 : i32 to vector<512x128xi32>
    %select_n3A_387 = arith.select %lt3A_383, %broadcast_in_dim3A_386, %select_n3A_376 : vector<512x128xi1>, vector<512x128xi32>
    %slice3A_388 = vector.extract_strided_slice %dot_general3A_14 {offsets = [0, 4352], sizes = [512, 128], strides = [1, 1]} : vector<512x8192xf32> to vector<512x128xf32>
    %add3A_389 = vector.broadcast %broadcast_in_dim3A : vector<512x1xf32> to vector<512x128xf32>
    %add3A_390 = arith.addf %add3A_389, %slice3A_388 : vector<512x128xf32>
    %slice3A_391 = vector.extract_strided_slice %mul3A_13 {offsets = [0, 4352], sizes = [1, 128], strides = [1, 1]} : vector<1x8192xf32> to vector<1x128xf32>
    %add3A_392 = vector.broadcast %slice3A_391 : vector<1x128xf32> to vector<512x128xf32>
    %add3A_393 = arith.addf %add3A_390, %add3A_392 : vector<512x128xf32>
    %lt3A_394 = arith.cmpf olt, %add3A_393, %select_n3A_384 : vector<512x128xf32>
    %select_n3A_395 = arith.select %lt3A_394, %add3A_393, %select_n3A_384 : vector<512x128xi1>, vector<512x128xf32>
    %jit3A_396 = arith.constant 34 : i32
    %broadcast_in_dim3A_397 = vector.broadcast %jit3A_396 : i32 to vector<512x128xi32>
    %select_n3A_398 = arith.select %lt3A_394, %broadcast_in_dim3A_397, %select_n3A_387 : vector<512x128xi1>, vector<512x128xi32>
    %slice3A_399 = vector.extract_strided_slice %dot_general3A_14 {offsets = [0, 4480], sizes = [512, 128], strides = [1, 1]} : vector<512x8192xf32> to vector<512x128xf32>
    %add3A_400 = vector.broadcast %broadcast_in_dim3A : vector<512x1xf32> to vector<512x128xf32>
    %add3A_401 = arith.addf %add3A_400, %slice3A_399 : vector<512x128xf32>
    %slice3A_402 = vector.extract_strided_slice %mul3A_13 {offsets = [0, 4480], sizes = [1, 128], strides = [1, 1]} : vector<1x8192xf32> to vector<1x128xf32>
    %add3A_403 = vector.broadcast %slice3A_402 : vector<1x128xf32> to vector<512x128xf32>
    %add3A_404 = arith.addf %add3A_401, %add3A_403 : vector<512x128xf32>
    %lt3A_405 = arith.cmpf olt, %add3A_404, %select_n3A_395 : vector<512x128xf32>
    %select_n3A_406 = arith.select %lt3A_405, %add3A_404, %select_n3A_395 : vector<512x128xi1>, vector<512x128xf32>
    %jit3A_407 = arith.constant 35 : i32
    %broadcast_in_dim3A_408 = vector.broadcast %jit3A_407 : i32 to vector<512x128xi32>
    %select_n3A_409 = arith.select %lt3A_405, %broadcast_in_dim3A_408, %select_n3A_398 : vector<512x128xi1>, vector<512x128xi32>
    %slice3A_410 = vector.extract_strided_slice %dot_general3A_14 {offsets = [0, 4608], sizes = [512, 128], strides = [1, 1]} : vector<512x8192xf32> to vector<512x128xf32>
    %add3A_411 = vector.broadcast %broadcast_in_dim3A : vector<512x1xf32> to vector<512x128xf32>
    %add3A_412 = arith.addf %add3A_411, %slice3A_410 : vector<512x128xf32>
    %slice3A_413 = vector.extract_strided_slice %mul3A_13 {offsets = [0, 4608], sizes = [1, 128], strides = [1, 1]} : vector<1x8192xf32> to vector<1x128xf32>
    %add3A_414 = vector.broadcast %slice3A_413 : vector<1x128xf32> to vector<512x128xf32>
    %add3A_415 = arith.addf %add3A_412, %add3A_414 : vector<512x128xf32>
    %lt3A_416 = arith.cmpf olt, %add3A_415, %select_n3A_406 : vector<512x128xf32>
    %select_n3A_417 = arith.select %lt3A_416, %add3A_415, %select_n3A_406 : vector<512x128xi1>, vector<512x128xf32>
    %jit3A_418 = arith.constant 36 : i32
    %broadcast_in_dim3A_419 = vector.broadcast %jit3A_418 : i32 to vector<512x128xi32>
    %select_n3A_420 = arith.select %lt3A_416, %broadcast_in_dim3A_419, %select_n3A_409 : vector<512x128xi1>, vector<512x128xi32>
    %slice3A_421 = vector.extract_strided_slice %dot_general3A_14 {offsets = [0, 4736], sizes = [512, 128], strides = [1, 1]} : vector<512x8192xf32> to vector<512x128xf32>
    %add3A_422 = vector.broadcast %broadcast_in_dim3A : vector<512x1xf32> to vector<512x128xf32>
    %add3A_423 = arith.addf %add3A_422, %slice3A_421 : vector<512x128xf32>
    %slice3A_424 = vector.extract_strided_slice %mul3A_13 {offsets = [0, 4736], sizes = [1, 128], strides = [1, 1]} : vector<1x8192xf32> to vector<1x128xf32>
    %add3A_425 = vector.broadcast %slice3A_424 : vector<1x128xf32> to vector<512x128xf32>
    %add3A_426 = arith.addf %add3A_423, %add3A_425 : vector<512x128xf32>
    %lt3A_427 = arith.cmpf olt, %add3A_426, %select_n3A_417 : vector<512x128xf32>
    %select_n3A_428 = arith.select %lt3A_427, %add3A_426, %select_n3A_417 : vector<512x128xi1>, vector<512x128xf32>
    %jit3A_429 = arith.constant 37 : i32
    %broadcast_in_dim3A_430 = vector.broadcast %jit3A_429 : i32 to vector<512x128xi32>
    %select_n3A_431 = arith.select %lt3A_427, %broadcast_in_dim3A_430, %select_n3A_420 : vector<512x128xi1>, vector<512x128xi32>
    %slice3A_432 = vector.extract_strided_slice %dot_general3A_14 {offsets = [0, 4864], sizes = [512, 128], strides = [1, 1]} : vector<512x8192xf32> to vector<512x128xf32>
    %add3A_433 = vector.broadcast %broadcast_in_dim3A : vector<512x1xf32> to vector<512x128xf32>
    %add3A_434 = arith.addf %add3A_433, %slice3A_432 : vector<512x128xf32>
    %slice3A_435 = vector.extract_strided_slice %mul3A_13 {offsets = [0, 4864], sizes = [1, 128], strides = [1, 1]} : vector<1x8192xf32> to vector<1x128xf32>
    %add3A_436 = vector.broadcast %slice3A_435 : vector<1x128xf32> to vector<512x128xf32>
    %add3A_437 = arith.addf %add3A_434, %add3A_436 : vector<512x128xf32>
    %lt3A_438 = arith.cmpf olt, %add3A_437, %select_n3A_428 : vector<512x128xf32>
    %select_n3A_439 = arith.select %lt3A_438, %add3A_437, %select_n3A_428 : vector<512x128xi1>, vector<512x128xf32>
    %jit3A_440 = arith.constant 38 : i32
    %broadcast_in_dim3A_441 = vector.broadcast %jit3A_440 : i32 to vector<512x128xi32>
    %select_n3A_442 = arith.select %lt3A_438, %broadcast_in_dim3A_441, %select_n3A_431 : vector<512x128xi1>, vector<512x128xi32>
    %slice3A_443 = vector.extract_strided_slice %dot_general3A_14 {offsets = [0, 4992], sizes = [512, 128], strides = [1, 1]} : vector<512x8192xf32> to vector<512x128xf32>
    %add3A_444 = vector.broadcast %broadcast_in_dim3A : vector<512x1xf32> to vector<512x128xf32>
    %add3A_445 = arith.addf %add3A_444, %slice3A_443 : vector<512x128xf32>
    %slice3A_446 = vector.extract_strided_slice %mul3A_13 {offsets = [0, 4992], sizes = [1, 128], strides = [1, 1]} : vector<1x8192xf32> to vector<1x128xf32>
    %add3A_447 = vector.broadcast %slice3A_446 : vector<1x128xf32> to vector<512x128xf32>
    %add3A_448 = arith.addf %add3A_445, %add3A_447 : vector<512x128xf32>
    %lt3A_449 = arith.cmpf olt, %add3A_448, %select_n3A_439 : vector<512x128xf32>
    %select_n3A_450 = arith.select %lt3A_449, %add3A_448, %select_n3A_439 : vector<512x128xi1>, vector<512x128xf32>
    %jit3A_451 = arith.constant 39 : i32
    %broadcast_in_dim3A_452 = vector.broadcast %jit3A_451 : i32 to vector<512x128xi32>
    %select_n3A_453 = arith.select %lt3A_449, %broadcast_in_dim3A_452, %select_n3A_442 : vector<512x128xi1>, vector<512x128xi32>
    %slice3A_454 = vector.extract_strided_slice %dot_general3A_14 {offsets = [0, 5120], sizes = [512, 128], strides = [1, 1]} : vector<512x8192xf32> to vector<512x128xf32>
    %add3A_455 = vector.broadcast %broadcast_in_dim3A : vector<512x1xf32> to vector<512x128xf32>
    %add3A_456 = arith.addf %add3A_455, %slice3A_454 : vector<512x128xf32>
    %slice3A_457 = vector.extract_strided_slice %mul3A_13 {offsets = [0, 5120], sizes = [1, 128], strides = [1, 1]} : vector<1x8192xf32> to vector<1x128xf32>
    %add3A_458 = vector.broadcast %slice3A_457 : vector<1x128xf32> to vector<512x128xf32>
    %add3A_459 = arith.addf %add3A_456, %add3A_458 : vector<512x128xf32>
    %lt3A_460 = arith.cmpf olt, %add3A_459, %select_n3A_450 : vector<512x128xf32>
    %select_n3A_461 = arith.select %lt3A_460, %add3A_459, %select_n3A_450 : vector<512x128xi1>, vector<512x128xf32>
    %jit3A_462 = arith.constant 40 : i32
    %broadcast_in_dim3A_463 = vector.broadcast %jit3A_462 : i32 to vector<512x128xi32>
    %select_n3A_464 = arith.select %lt3A_460, %broadcast_in_dim3A_463, %select_n3A_453 : vector<512x128xi1>, vector<512x128xi32>
    %slice3A_465 = vector.extract_strided_slice %dot_general3A_14 {offsets = [0, 5248], sizes = [512, 128], strides = [1, 1]} : vector<512x8192xf32> to vector<512x128xf32>
    %add3A_466 = vector.broadcast %broadcast_in_dim3A : vector<512x1xf32> to vector<512x128xf32>
    %add3A_467 = arith.addf %add3A_466, %slice3A_465 : vector<512x128xf32>
    %slice3A_468 = vector.extract_strided_slice %mul3A_13 {offsets = [0, 5248], sizes = [1, 128], strides = [1, 1]} : vector<1x8192xf32> to vector<1x128xf32>
    %add3A_469 = vector.broadcast %slice3A_468 : vector<1x128xf32> to vector<512x128xf32>
    %add3A_470 = arith.addf %add3A_467, %add3A_469 : vector<512x128xf32>
    %lt3A_471 = arith.cmpf olt, %add3A_470, %select_n3A_461 : vector<512x128xf32>
    %select_n3A_472 = arith.select %lt3A_471, %add3A_470, %select_n3A_461 : vector<512x128xi1>, vector<512x128xf32>
    %jit3A_473 = arith.constant 41 : i32
    %broadcast_in_dim3A_474 = vector.broadcast %jit3A_473 : i32 to vector<512x128xi32>
    %select_n3A_475 = arith.select %lt3A_471, %broadcast_in_dim3A_474, %select_n3A_464 : vector<512x128xi1>, vector<512x128xi32>
    %slice3A_476 = vector.extract_strided_slice %dot_general3A_14 {offsets = [0, 5376], sizes = [512, 128], strides = [1, 1]} : vector<512x8192xf32> to vector<512x128xf32>
    %add3A_477 = vector.broadcast %broadcast_in_dim3A : vector<512x1xf32> to vector<512x128xf32>
    %add3A_478 = arith.addf %add3A_477, %slice3A_476 : vector<512x128xf32>
    %slice3A_479 = vector.extract_strided_slice %mul3A_13 {offsets = [0, 5376], sizes = [1, 128], strides = [1, 1]} : vector<1x8192xf32> to vector<1x128xf32>
    %add3A_480 = vector.broadcast %slice3A_479 : vector<1x128xf32> to vector<512x128xf32>
    %add3A_481 = arith.addf %add3A_478, %add3A_480 : vector<512x128xf32>
    %lt3A_482 = arith.cmpf olt, %add3A_481, %select_n3A_472 : vector<512x128xf32>
    %select_n3A_483 = arith.select %lt3A_482, %add3A_481, %select_n3A_472 : vector<512x128xi1>, vector<512x128xf32>
    %jit3A_484 = arith.constant 42 : i32
    %broadcast_in_dim3A_485 = vector.broadcast %jit3A_484 : i32 to vector<512x128xi32>
    %select_n3A_486 = arith.select %lt3A_482, %broadcast_in_dim3A_485, %select_n3A_475 : vector<512x128xi1>, vector<512x128xi32>
    %slice3A_487 = vector.extract_strided_slice %dot_general3A_14 {offsets = [0, 5504], sizes = [512, 128], strides = [1, 1]} : vector<512x8192xf32> to vector<512x128xf32>
    %add3A_488 = vector.broadcast %broadcast_in_dim3A : vector<512x1xf32> to vector<512x128xf32>
    %add3A_489 = arith.addf %add3A_488, %slice3A_487 : vector<512x128xf32>
    %slice3A_490 = vector.extract_strided_slice %mul3A_13 {offsets = [0, 5504], sizes = [1, 128], strides = [1, 1]} : vector<1x8192xf32> to vector<1x128xf32>
    %add3A_491 = vector.broadcast %slice3A_490 : vector<1x128xf32> to vector<512x128xf32>
    %add3A_492 = arith.addf %add3A_489, %add3A_491 : vector<512x128xf32>
    %lt3A_493 = arith.cmpf olt, %add3A_492, %select_n3A_483 : vector<512x128xf32>
    %select_n3A_494 = arith.select %lt3A_493, %add3A_492, %select_n3A_483 : vector<512x128xi1>, vector<512x128xf32>
    %jit3A_495 = arith.constant 43 : i32
    %broadcast_in_dim3A_496 = vector.broadcast %jit3A_495 : i32 to vector<512x128xi32>
    %select_n3A_497 = arith.select %lt3A_493, %broadcast_in_dim3A_496, %select_n3A_486 : vector<512x128xi1>, vector<512x128xi32>
    %slice3A_498 = vector.extract_strided_slice %dot_general3A_14 {offsets = [0, 5632], sizes = [512, 128], strides = [1, 1]} : vector<512x8192xf32> to vector<512x128xf32>
    %add3A_499 = vector.broadcast %broadcast_in_dim3A : vector<512x1xf32> to vector<512x128xf32>
    %add3A_500 = arith.addf %add3A_499, %slice3A_498 : vector<512x128xf32>
    %slice3A_501 = vector.extract_strided_slice %mul3A_13 {offsets = [0, 5632], sizes = [1, 128], strides = [1, 1]} : vector<1x8192xf32> to vector<1x128xf32>
    %add3A_502 = vector.broadcast %slice3A_501 : vector<1x128xf32> to vector<512x128xf32>
    %add3A_503 = arith.addf %add3A_500, %add3A_502 : vector<512x128xf32>
    %lt3A_504 = arith.cmpf olt, %add3A_503, %select_n3A_494 : vector<512x128xf32>
    %select_n3A_505 = arith.select %lt3A_504, %add3A_503, %select_n3A_494 : vector<512x128xi1>, vector<512x128xf32>
    %jit3A_506 = arith.constant 44 : i32
    %broadcast_in_dim3A_507 = vector.broadcast %jit3A_506 : i32 to vector<512x128xi32>
    %select_n3A_508 = arith.select %lt3A_504, %broadcast_in_dim3A_507, %select_n3A_497 : vector<512x128xi1>, vector<512x128xi32>
    %slice3A_509 = vector.extract_strided_slice %dot_general3A_14 {offsets = [0, 5760], sizes = [512, 128], strides = [1, 1]} : vector<512x8192xf32> to vector<512x128xf32>
    %add3A_510 = vector.broadcast %broadcast_in_dim3A : vector<512x1xf32> to vector<512x128xf32>
    %add3A_511 = arith.addf %add3A_510, %slice3A_509 : vector<512x128xf32>
    %slice3A_512 = vector.extract_strided_slice %mul3A_13 {offsets = [0, 5760], sizes = [1, 128], strides = [1, 1]} : vector<1x8192xf32> to vector<1x128xf32>
    %add3A_513 = vector.broadcast %slice3A_512 : vector<1x128xf32> to vector<512x128xf32>
    %add3A_514 = arith.addf %add3A_511, %add3A_513 : vector<512x128xf32>
    %lt3A_515 = arith.cmpf olt, %add3A_514, %select_n3A_505 : vector<512x128xf32>
    %select_n3A_516 = arith.select %lt3A_515, %add3A_514, %select_n3A_505 : vector<512x128xi1>, vector<512x128xf32>
    %jit3A_517 = arith.constant 45 : i32
    %broadcast_in_dim3A_518 = vector.broadcast %jit3A_517 : i32 to vector<512x128xi32>
    %select_n3A_519 = arith.select %lt3A_515, %broadcast_in_dim3A_518, %select_n3A_508 : vector<512x128xi1>, vector<512x128xi32>
    %slice3A_520 = vector.extract_strided_slice %dot_general3A_14 {offsets = [0, 5888], sizes = [512, 128], strides = [1, 1]} : vector<512x8192xf32> to vector<512x128xf32>
    %add3A_521 = vector.broadcast %broadcast_in_dim3A : vector<512x1xf32> to vector<512x128xf32>
    %add3A_522 = arith.addf %add3A_521, %slice3A_520 : vector<512x128xf32>
    %slice3A_523 = vector.extract_strided_slice %mul3A_13 {offsets = [0, 5888], sizes = [1, 128], strides = [1, 1]} : vector<1x8192xf32> to vector<1x128xf32>
    %add3A_524 = vector.broadcast %slice3A_523 : vector<1x128xf32> to vector<512x128xf32>
    %add3A_525 = arith.addf %add3A_522, %add3A_524 : vector<512x128xf32>
    %lt3A_526 = arith.cmpf olt, %add3A_525, %select_n3A_516 : vector<512x128xf32>
    %select_n3A_527 = arith.select %lt3A_526, %add3A_525, %select_n3A_516 : vector<512x128xi1>, vector<512x128xf32>
    %jit3A_528 = arith.constant 46 : i32
    %broadcast_in_dim3A_529 = vector.broadcast %jit3A_528 : i32 to vector<512x128xi32>
    %select_n3A_530 = arith.select %lt3A_526, %broadcast_in_dim3A_529, %select_n3A_519 : vector<512x128xi1>, vector<512x128xi32>
    %slice3A_531 = vector.extract_strided_slice %dot_general3A_14 {offsets = [0, 6016], sizes = [512, 128], strides = [1, 1]} : vector<512x8192xf32> to vector<512x128xf32>
    %add3A_532 = vector.broadcast %broadcast_in_dim3A : vector<512x1xf32> to vector<512x128xf32>
    %add3A_533 = arith.addf %add3A_532, %slice3A_531 : vector<512x128xf32>
    %slice3A_534 = vector.extract_strided_slice %mul3A_13 {offsets = [0, 6016], sizes = [1, 128], strides = [1, 1]} : vector<1x8192xf32> to vector<1x128xf32>
    %add3A_535 = vector.broadcast %slice3A_534 : vector<1x128xf32> to vector<512x128xf32>
    %add3A_536 = arith.addf %add3A_533, %add3A_535 : vector<512x128xf32>
    %lt3A_537 = arith.cmpf olt, %add3A_536, %select_n3A_527 : vector<512x128xf32>
    %select_n3A_538 = arith.select %lt3A_537, %add3A_536, %select_n3A_527 : vector<512x128xi1>, vector<512x128xf32>
    %jit3A_539 = arith.constant 47 : i32
    %broadcast_in_dim3A_540 = vector.broadcast %jit3A_539 : i32 to vector<512x128xi32>
    %select_n3A_541 = arith.select %lt3A_537, %broadcast_in_dim3A_540, %select_n3A_530 : vector<512x128xi1>, vector<512x128xi32>
    %slice3A_542 = vector.extract_strided_slice %dot_general3A_14 {offsets = [0, 6144], sizes = [512, 128], strides = [1, 1]} : vector<512x8192xf32> to vector<512x128xf32>
    %add3A_543 = vector.broadcast %broadcast_in_dim3A : vector<512x1xf32> to vector<512x128xf32>
    %add3A_544 = arith.addf %add3A_543, %slice3A_542 : vector<512x128xf32>
    %slice3A_545 = vector.extract_strided_slice %mul3A_13 {offsets = [0, 6144], sizes = [1, 128], strides = [1, 1]} : vector<1x8192xf32> to vector<1x128xf32>
    %add3A_546 = vector.broadcast %slice3A_545 : vector<1x128xf32> to vector<512x128xf32>
    %add3A_547 = arith.addf %add3A_544, %add3A_546 : vector<512x128xf32>
    %lt3A_548 = arith.cmpf olt, %add3A_547, %select_n3A_538 : vector<512x128xf32>
    %select_n3A_549 = arith.select %lt3A_548, %add3A_547, %select_n3A_538 : vector<512x128xi1>, vector<512x128xf32>
    %jit3A_550 = arith.constant 48 : i32
    %broadcast_in_dim3A_551 = vector.broadcast %jit3A_550 : i32 to vector<512x128xi32>
    %select_n3A_552 = arith.select %lt3A_548, %broadcast_in_dim3A_551, %select_n3A_541 : vector<512x128xi1>, vector<512x128xi32>
    %slice3A_553 = vector.extract_strided_slice %dot_general3A_14 {offsets = [0, 6272], sizes = [512, 128], strides = [1, 1]} : vector<512x8192xf32> to vector<512x128xf32>
    %add3A_554 = vector.broadcast %broadcast_in_dim3A : vector<512x1xf32> to vector<512x128xf32>
    %add3A_555 = arith.addf %add3A_554, %slice3A_553 : vector<512x128xf32>
    %slice3A_556 = vector.extract_strided_slice %mul3A_13 {offsets = [0, 6272], sizes = [1, 128], strides = [1, 1]} : vector<1x8192xf32> to vector<1x128xf32>
    %add3A_557 = vector.broadcast %slice3A_556 : vector<1x128xf32> to vector<512x128xf32>
    %add3A_558 = arith.addf %add3A_555, %add3A_557 : vector<512x128xf32>
    %lt3A_559 = arith.cmpf olt, %add3A_558, %select_n3A_549 : vector<512x128xf32>
    %select_n3A_560 = arith.select %lt3A_559, %add3A_558, %select_n3A_549 : vector<512x128xi1>, vector<512x128xf32>
    %jit3A_561 = arith.constant 49 : i32
    %broadcast_in_dim3A_562 = vector.broadcast %jit3A_561 : i32 to vector<512x128xi32>
    %select_n3A_563 = arith.select %lt3A_559, %broadcast_in_dim3A_562, %select_n3A_552 : vector<512x128xi1>, vector<512x128xi32>
    %slice3A_564 = vector.extract_strided_slice %dot_general3A_14 {offsets = [0, 6400], sizes = [512, 128], strides = [1, 1]} : vector<512x8192xf32> to vector<512x128xf32>
    %add3A_565 = vector.broadcast %broadcast_in_dim3A : vector<512x1xf32> to vector<512x128xf32>
    %add3A_566 = arith.addf %add3A_565, %slice3A_564 : vector<512x128xf32>
    %slice3A_567 = vector.extract_strided_slice %mul3A_13 {offsets = [0, 6400], sizes = [1, 128], strides = [1, 1]} : vector<1x8192xf32> to vector<1x128xf32>
    %add3A_568 = vector.broadcast %slice3A_567 : vector<1x128xf32> to vector<512x128xf32>
    %add3A_569 = arith.addf %add3A_566, %add3A_568 : vector<512x128xf32>
    %lt3A_570 = arith.cmpf olt, %add3A_569, %select_n3A_560 : vector<512x128xf32>
    %select_n3A_571 = arith.select %lt3A_570, %add3A_569, %select_n3A_560 : vector<512x128xi1>, vector<512x128xf32>
    %jit3A_572 = arith.constant 50 : i32
    %broadcast_in_dim3A_573 = vector.broadcast %jit3A_572 : i32 to vector<512x128xi32>
    %select_n3A_574 = arith.select %lt3A_570, %broadcast_in_dim3A_573, %select_n3A_563 : vector<512x128xi1>, vector<512x128xi32>
    %slice3A_575 = vector.extract_strided_slice %dot_general3A_14 {offsets = [0, 6528], sizes = [512, 128], strides = [1, 1]} : vector<512x8192xf32> to vector<512x128xf32>
    %add3A_576 = vector.broadcast %broadcast_in_dim3A : vector<512x1xf32> to vector<512x128xf32>
    %add3A_577 = arith.addf %add3A_576, %slice3A_575 : vector<512x128xf32>
    %slice3A_578 = vector.extract_strided_slice %mul3A_13 {offsets = [0, 6528], sizes = [1, 128], strides = [1, 1]} : vector<1x8192xf32> to vector<1x128xf32>
    %add3A_579 = vector.broadcast %slice3A_578 : vector<1x128xf32> to vector<512x128xf32>
    %add3A_580 = arith.addf %add3A_577, %add3A_579 : vector<512x128xf32>
    %lt3A_581 = arith.cmpf olt, %add3A_580, %select_n3A_571 : vector<512x128xf32>
    %select_n3A_582 = arith.select %lt3A_581, %add3A_580, %select_n3A_571 : vector<512x128xi1>, vector<512x128xf32>
    %jit3A_583 = arith.constant 51 : i32
    %broadcast_in_dim3A_584 = vector.broadcast %jit3A_583 : i32 to vector<512x128xi32>
    %select_n3A_585 = arith.select %lt3A_581, %broadcast_in_dim3A_584, %select_n3A_574 : vector<512x128xi1>, vector<512x128xi32>
    %slice3A_586 = vector.extract_strided_slice %dot_general3A_14 {offsets = [0, 6656], sizes = [512, 128], strides = [1, 1]} : vector<512x8192xf32> to vector<512x128xf32>
    %add3A_587 = vector.broadcast %broadcast_in_dim3A : vector<512x1xf32> to vector<512x128xf32>
    %add3A_588 = arith.addf %add3A_587, %slice3A_586 : vector<512x128xf32>
    %slice3A_589 = vector.extract_strided_slice %mul3A_13 {offsets = [0, 6656], sizes = [1, 128], strides = [1, 1]} : vector<1x8192xf32> to vector<1x128xf32>
    %add3A_590 = vector.broadcast %slice3A_589 : vector<1x128xf32> to vector<512x128xf32>
    %add3A_591 = arith.addf %add3A_588, %add3A_590 : vector<512x128xf32>
    %lt3A_592 = arith.cmpf olt, %add3A_591, %select_n3A_582 : vector<512x128xf32>
    %select_n3A_593 = arith.select %lt3A_592, %add3A_591, %select_n3A_582 : vector<512x128xi1>, vector<512x128xf32>
    %jit3A_594 = arith.constant 52 : i32
    %broadcast_in_dim3A_595 = vector.broadcast %jit3A_594 : i32 to vector<512x128xi32>
    %select_n3A_596 = arith.select %lt3A_592, %broadcast_in_dim3A_595, %select_n3A_585 : vector<512x128xi1>, vector<512x128xi32>
    %slice3A_597 = vector.extract_strided_slice %dot_general3A_14 {offsets = [0, 6784], sizes = [512, 128], strides = [1, 1]} : vector<512x8192xf32> to vector<512x128xf32>
    %add3A_598 = vector.broadcast %broadcast_in_dim3A : vector<512x1xf32> to vector<512x128xf32>
    %add3A_599 = arith.addf %add3A_598, %slice3A_597 : vector<512x128xf32>
    %slice3A_600 = vector.extract_strided_slice %mul3A_13 {offsets = [0, 6784], sizes = [1, 128], strides = [1, 1]} : vector<1x8192xf32> to vector<1x128xf32>
    %add3A_601 = vector.broadcast %slice3A_600 : vector<1x128xf32> to vector<512x128xf32>
    %add3A_602 = arith.addf %add3A_599, %add3A_601 : vector<512x128xf32>
    %lt3A_603 = arith.cmpf olt, %add3A_602, %select_n3A_593 : vector<512x128xf32>
    %select_n3A_604 = arith.select %lt3A_603, %add3A_602, %select_n3A_593 : vector<512x128xi1>, vector<512x128xf32>
    %jit3A_605 = arith.constant 53 : i32
    %broadcast_in_dim3A_606 = vector.broadcast %jit3A_605 : i32 to vector<512x128xi32>
    %select_n3A_607 = arith.select %lt3A_603, %broadcast_in_dim3A_606, %select_n3A_596 : vector<512x128xi1>, vector<512x128xi32>
    %slice3A_608 = vector.extract_strided_slice %dot_general3A_14 {offsets = [0, 6912], sizes = [512, 128], strides = [1, 1]} : vector<512x8192xf32> to vector<512x128xf32>
    %add3A_609 = vector.broadcast %broadcast_in_dim3A : vector<512x1xf32> to vector<512x128xf32>
    %add3A_610 = arith.addf %add3A_609, %slice3A_608 : vector<512x128xf32>
    %slice3A_611 = vector.extract_strided_slice %mul3A_13 {offsets = [0, 6912], sizes = [1, 128], strides = [1, 1]} : vector<1x8192xf32> to vector<1x128xf32>
    %add3A_612 = vector.broadcast %slice3A_611 : vector<1x128xf32> to vector<512x128xf32>
    %add3A_613 = arith.addf %add3A_610, %add3A_612 : vector<512x128xf32>
    %lt3A_614 = arith.cmpf olt, %add3A_613, %select_n3A_604 : vector<512x128xf32>
    %select_n3A_615 = arith.select %lt3A_614, %add3A_613, %select_n3A_604 : vector<512x128xi1>, vector<512x128xf32>
    %jit3A_616 = arith.constant 54 : i32
    %broadcast_in_dim3A_617 = vector.broadcast %jit3A_616 : i32 to vector<512x128xi32>
    %select_n3A_618 = arith.select %lt3A_614, %broadcast_in_dim3A_617, %select_n3A_607 : vector<512x128xi1>, vector<512x128xi32>
    %slice3A_619 = vector.extract_strided_slice %dot_general3A_14 {offsets = [0, 7040], sizes = [512, 128], strides = [1, 1]} : vector<512x8192xf32> to vector<512x128xf32>
    %add3A_620 = vector.broadcast %broadcast_in_dim3A : vector<512x1xf32> to vector<512x128xf32>
    %add3A_621 = arith.addf %add3A_620, %slice3A_619 : vector<512x128xf32>
    %slice3A_622 = vector.extract_strided_slice %mul3A_13 {offsets = [0, 7040], sizes = [1, 128], strides = [1, 1]} : vector<1x8192xf32> to vector<1x128xf32>
    %add3A_623 = vector.broadcast %slice3A_622 : vector<1x128xf32> to vector<512x128xf32>
    %add3A_624 = arith.addf %add3A_621, %add3A_623 : vector<512x128xf32>
    %lt3A_625 = arith.cmpf olt, %add3A_624, %select_n3A_615 : vector<512x128xf32>
    %select_n3A_626 = arith.select %lt3A_625, %add3A_624, %select_n3A_615 : vector<512x128xi1>, vector<512x128xf32>
    %jit3A_627 = arith.constant 55 : i32
    %broadcast_in_dim3A_628 = vector.broadcast %jit3A_627 : i32 to vector<512x128xi32>
    %select_n3A_629 = arith.select %lt3A_625, %broadcast_in_dim3A_628, %select_n3A_618 : vector<512x128xi1>, vector<512x128xi32>
    %slice3A_630 = vector.extract_strided_slice %dot_general3A_14 {offsets = [0, 7168], sizes = [512, 128], strides = [1, 1]} : vector<512x8192xf32> to vector<512x128xf32>
    %add3A_631 = vector.broadcast %broadcast_in_dim3A : vector<512x1xf32> to vector<512x128xf32>
    %add3A_632 = arith.addf %add3A_631, %slice3A_630 : vector<512x128xf32>
    %slice3A_633 = vector.extract_strided_slice %mul3A_13 {offsets = [0, 7168], sizes = [1, 128], strides = [1, 1]} : vector<1x8192xf32> to vector<1x128xf32>
    %add3A_634 = vector.broadcast %slice3A_633 : vector<1x128xf32> to vector<512x128xf32>
    %add3A_635 = arith.addf %add3A_632, %add3A_634 : vector<512x128xf32>
    %lt3A_636 = arith.cmpf olt, %add3A_635, %select_n3A_626 : vector<512x128xf32>
    %select_n3A_637 = arith.select %lt3A_636, %add3A_635, %select_n3A_626 : vector<512x128xi1>, vector<512x128xf32>
    %jit3A_638 = arith.constant 56 : i32
    %broadcast_in_dim3A_639 = vector.broadcast %jit3A_638 : i32 to vector<512x128xi32>
    %select_n3A_640 = arith.select %lt3A_636, %broadcast_in_dim3A_639, %select_n3A_629 : vector<512x128xi1>, vector<512x128xi32>
    %slice3A_641 = vector.extract_strided_slice %dot_general3A_14 {offsets = [0, 7296], sizes = [512, 128], strides = [1, 1]} : vector<512x8192xf32> to vector<512x128xf32>
    %add3A_642 = vector.broadcast %broadcast_in_dim3A : vector<512x1xf32> to vector<512x128xf32>
    %add3A_643 = arith.addf %add3A_642, %slice3A_641 : vector<512x128xf32>
    %slice3A_644 = vector.extract_strided_slice %mul3A_13 {offsets = [0, 7296], sizes = [1, 128], strides = [1, 1]} : vector<1x8192xf32> to vector<1x128xf32>
    %add3A_645 = vector.broadcast %slice3A_644 : vector<1x128xf32> to vector<512x128xf32>
    %add3A_646 = arith.addf %add3A_643, %add3A_645 : vector<512x128xf32>
    %lt3A_647 = arith.cmpf olt, %add3A_646, %select_n3A_637 : vector<512x128xf32>
    %select_n3A_648 = arith.select %lt3A_647, %add3A_646, %select_n3A_637 : vector<512x128xi1>, vector<512x128xf32>
    %jit3A_649 = arith.constant 57 : i32
    %broadcast_in_dim3A_650 = vector.broadcast %jit3A_649 : i32 to vector<512x128xi32>
    %select_n3A_651 = arith.select %lt3A_647, %broadcast_in_dim3A_650, %select_n3A_640 : vector<512x128xi1>, vector<512x128xi32>
    %slice3A_652 = vector.extract_strided_slice %dot_general3A_14 {offsets = [0, 7424], sizes = [512, 128], strides = [1, 1]} : vector<512x8192xf32> to vector<512x128xf32>
    %add3A_653 = vector.broadcast %broadcast_in_dim3A : vector<512x1xf32> to vector<512x128xf32>
    %add3A_654 = arith.addf %add3A_653, %slice3A_652 : vector<512x128xf32>
    %slice3A_655 = vector.extract_strided_slice %mul3A_13 {offsets = [0, 7424], sizes = [1, 128], strides = [1, 1]} : vector<1x8192xf32> to vector<1x128xf32>
    %add3A_656 = vector.broadcast %slice3A_655 : vector<1x128xf32> to vector<512x128xf32>
    %add3A_657 = arith.addf %add3A_654, %add3A_656 : vector<512x128xf32>
    %lt3A_658 = arith.cmpf olt, %add3A_657, %select_n3A_648 : vector<512x128xf32>
    %select_n3A_659 = arith.select %lt3A_658, %add3A_657, %select_n3A_648 : vector<512x128xi1>, vector<512x128xf32>
    %jit3A_660 = arith.constant 58 : i32
    %broadcast_in_dim3A_661 = vector.broadcast %jit3A_660 : i32 to vector<512x128xi32>
    %select_n3A_662 = arith.select %lt3A_658, %broadcast_in_dim3A_661, %select_n3A_651 : vector<512x128xi1>, vector<512x128xi32>
    %slice3A_663 = vector.extract_strided_slice %dot_general3A_14 {offsets = [0, 7552], sizes = [512, 128], strides = [1, 1]} : vector<512x8192xf32> to vector<512x128xf32>
    %add3A_664 = vector.broadcast %broadcast_in_dim3A : vector<512x1xf32> to vector<512x128xf32>
    %add3A_665 = arith.addf %add3A_664, %slice3A_663 : vector<512x128xf32>
    %slice3A_666 = vector.extract_strided_slice %mul3A_13 {offsets = [0, 7552], sizes = [1, 128], strides = [1, 1]} : vector<1x8192xf32> to vector<1x128xf32>
    %add3A_667 = vector.broadcast %slice3A_666 : vector<1x128xf32> to vector<512x128xf32>
    %add3A_668 = arith.addf %add3A_665, %add3A_667 : vector<512x128xf32>
    %lt3A_669 = arith.cmpf olt, %add3A_668, %select_n3A_659 : vector<512x128xf32>
    %select_n3A_670 = arith.select %lt3A_669, %add3A_668, %select_n3A_659 : vector<512x128xi1>, vector<512x128xf32>
    %jit3A_671 = arith.constant 59 : i32
    %broadcast_in_dim3A_672 = vector.broadcast %jit3A_671 : i32 to vector<512x128xi32>
    %select_n3A_673 = arith.select %lt3A_669, %broadcast_in_dim3A_672, %select_n3A_662 : vector<512x128xi1>, vector<512x128xi32>
    %slice3A_674 = vector.extract_strided_slice %dot_general3A_14 {offsets = [0, 7680], sizes = [512, 128], strides = [1, 1]} : vector<512x8192xf32> to vector<512x128xf32>
    %add3A_675 = vector.broadcast %broadcast_in_dim3A : vector<512x1xf32> to vector<512x128xf32>
    %add3A_676 = arith.addf %add3A_675, %slice3A_674 : vector<512x128xf32>
    %slice3A_677 = vector.extract_strided_slice %mul3A_13 {offsets = [0, 7680], sizes = [1, 128], strides = [1, 1]} : vector<1x8192xf32> to vector<1x128xf32>
    %add3A_678 = vector.broadcast %slice3A_677 : vector<1x128xf32> to vector<512x128xf32>
    %add3A_679 = arith.addf %add3A_676, %add3A_678 : vector<512x128xf32>
    %lt3A_680 = arith.cmpf olt, %add3A_679, %select_n3A_670 : vector<512x128xf32>
    %select_n3A_681 = arith.select %lt3A_680, %add3A_679, %select_n3A_670 : vector<512x128xi1>, vector<512x128xf32>
    %jit3A_682 = arith.constant 60 : i32
    %broadcast_in_dim3A_683 = vector.broadcast %jit3A_682 : i32 to vector<512x128xi32>
    %select_n3A_684 = arith.select %lt3A_680, %broadcast_in_dim3A_683, %select_n3A_673 : vector<512x128xi1>, vector<512x128xi32>
    %slice3A_685 = vector.extract_strided_slice %dot_general3A_14 {offsets = [0, 7808], sizes = [512, 128], strides = [1, 1]} : vector<512x8192xf32> to vector<512x128xf32>
    %add3A_686 = vector.broadcast %broadcast_in_dim3A : vector<512x1xf32> to vector<512x128xf32>
    %add3A_687 = arith.addf %add3A_686, %slice3A_685 : vector<512x128xf32>
    %slice3A_688 = vector.extract_strided_slice %mul3A_13 {offsets = [0, 7808], sizes = [1, 128], strides = [1, 1]} : vector<1x8192xf32> to vector<1x128xf32>
    %add3A_689 = vector.broadcast %slice3A_688 : vector<1x128xf32> to vector<512x128xf32>
    %add3A_690 = arith.addf %add3A_687, %add3A_689 : vector<512x128xf32>
    %lt3A_691 = arith.cmpf olt, %add3A_690, %select_n3A_681 : vector<512x128xf32>
    %select_n3A_692 = arith.select %lt3A_691, %add3A_690, %select_n3A_681 : vector<512x128xi1>, vector<512x128xf32>
    %jit3A_693 = arith.constant 61 : i32
    %broadcast_in_dim3A_694 = vector.broadcast %jit3A_693 : i32 to vector<512x128xi32>
    %select_n3A_695 = arith.select %lt3A_691, %broadcast_in_dim3A_694, %select_n3A_684 : vector<512x128xi1>, vector<512x128xi32>
    %slice3A_696 = vector.extract_strided_slice %dot_general3A_14 {offsets = [0, 7936], sizes = [512, 128], strides = [1, 1]} : vector<512x8192xf32> to vector<512x128xf32>
    %add3A_697 = vector.broadcast %broadcast_in_dim3A : vector<512x1xf32> to vector<512x128xf32>
    %add3A_698 = arith.addf %add3A_697, %slice3A_696 : vector<512x128xf32>
    %slice3A_699 = vector.extract_strided_slice %mul3A_13 {offsets = [0, 7936], sizes = [1, 128], strides = [1, 1]} : vector<1x8192xf32> to vector<1x128xf32>
    %add3A_700 = vector.broadcast %slice3A_699 : vector<1x128xf32> to vector<512x128xf32>
    %add3A_701 = arith.addf %add3A_698, %add3A_700 : vector<512x128xf32>
    %lt3A_702 = arith.cmpf olt, %add3A_701, %select_n3A_692 : vector<512x128xf32>
    %select_n3A_703 = arith.select %lt3A_702, %add3A_701, %select_n3A_692 : vector<512x128xi1>, vector<512x128xf32>
    %jit3A_704 = arith.constant 62 : i32
    %broadcast_in_dim3A_705 = vector.broadcast %jit3A_704 : i32 to vector<512x128xi32>
    %select_n3A_706 = arith.select %lt3A_702, %broadcast_in_dim3A_705, %select_n3A_695 : vector<512x128xi1>, vector<512x128xi32>
    %slice3A_707 = vector.extract_strided_slice %dot_general3A_14 {offsets = [0, 8064], sizes = [512, 128], strides = [1, 1]} : vector<512x8192xf32> to vector<512x128xf32>
    %add3A_708 = vector.broadcast %broadcast_in_dim3A : vector<512x1xf32> to vector<512x128xf32>
    %add3A_709 = arith.addf %add3A_708, %slice3A_707 : vector<512x128xf32>
    %slice3A_710 = vector.extract_strided_slice %mul3A_13 {offsets = [0, 8064], sizes = [1, 128], strides = [1, 1]} : vector<1x8192xf32> to vector<1x128xf32>
    %add3A_711 = vector.broadcast %slice3A_710 : vector<1x128xf32> to vector<512x128xf32>
    %add3A_712 = arith.addf %add3A_709, %add3A_711 : vector<512x128xf32>
    %lt3A_713 = arith.cmpf olt, %add3A_712, %select_n3A_703 : vector<512x128xf32>
    %select_n3A_714 = arith.select %lt3A_713, %add3A_712, %select_n3A_703 : vector<512x128xi1>, vector<512x128xf32>
    %jit3A_715 = arith.constant 63 : i32
    %broadcast_in_dim3A_716 = vector.broadcast %jit3A_715 : i32 to vector<512x128xi32>
    %select_n3A_717 = arith.select %lt3A_713, %broadcast_in_dim3A_716, %select_n3A_706 : vector<512x128xi1>, vector<512x128xi32>
    %reduce_min3A = arith.constant dense<0x7F800000> : vector<512xf32>
    %reduce_min3A_718 = vector.multi_reduction <minimumf>, %select_n3A_714, %reduce_min3A [1] : vector<512x128xf32> to vector<512xf32>
    %broadcast_in_dim3A_719 = vector.shape_cast %reduce_min3A_718 : vector<512xf32> to vector<512x1xf32>
    %mul3A_720 = arith.constant 128 : i32
    %mul3A_721 = vector.broadcast %mul3A_720 : i32 to vector<512x128xi32>
    %mul3A_722 = arith.muli %select_n3A_717, %mul3A_721 : vector<512x128xi32>
    %iota3A = tpu.iota {dimensions = array<i32: 1>} : vector<512x128xi32>
    %add3A_723 = arith.addi %mul3A_722, %iota3A : vector<512x128xi32>
    %eq3A = vector.broadcast %broadcast_in_dim3A_719 : vector<512x1xf32> to vector<512x128xf32>
    %eq3A_724 = arith.cmpf oeq, %select_n3A_714, %eq3A : vector<512x128xf32>
    %jit3A_725 = arith.constant 8192 : i32
    %broadcast_in_dim3A_726 = vector.broadcast %jit3A_725 : i32 to vector<512x128xi32>
    %select_n3A_727 = arith.select %eq3A_724, %add3A_723, %broadcast_in_dim3A_726 : vector<512x128xi1>, vector<512x128xi32>
    %reduce_min3A_728 = arith.constant dense<2147483647> : vector<512xi32>
    %reduce_min3A_729 = vector.multi_reduction <minsi>, %select_n3A_727, %reduce_min3A_728 [1] : vector<512x128xi32> to vector<512xi32>
    %broadcast_in_dim3A_730 = vector.shape_cast %reduce_min3A_729 : vector<512xi32> to vector<512x1xi32>
    %swap3A = arith.constant 0 : index
    %swap3A_731 = arith.constant 0 : index
    %swap3A_732 = vector.load %arg3[%swap3A, %swap3A_731] : memref<512x1xi32, #tpu.memory_space<vmem>>, vector<512x1xi32>
    tpu.vector_store %arg3[%swap3A, %swap3A_731], %broadcast_in_dim3A_730 {strides = array<i32>} : memref<512x1xi32, #tpu.memory_space<vmem>>, vector<512x1xi32>,
    %eq3A_733 = arith.constant 0 : i32
    %eq3A_734 = arith.cmpi eq, %arg0, %eq3A_733 : i32
    %convert_element_type3A = arith.extui %eq3A_734 : i1 to i32
    %cond3A = arith.constant 0 : i32
    %cond3A_735 = arith.cmpi ne, %convert_element_type3A, %cond3A : i32
    scf.if %cond3A_735 {
      %broadcast_in_dim3A_749 = arith.constant 0.000000e+00 : f32
      %broadcast_in_dim3A_750 = vector.broadcast %broadcast_in_dim3A_749 : f32 to vector<1x1xf32>
      %swap3A_751 = arith.constant 0 : index
      %swap3A_752 = arith.constant 0 : index
      %swap3A_753 = vector.load %arg4[%swap3A_751, %swap3A_752] : memref<1x1xf32, #tpu.memory_space<vmem>>, vector<1x1xf32>
      tpu.vector_store %arg4[%swap3A_751, %swap3A_752], %broadcast_in_dim3A_750 {strides = array<i32>} : memref<1x1xf32, #tpu.memory_space<vmem>>, vector<1x1xf32>,
    } else {
    }
    %get3A_736 = arith.constant 0 : index
    %get3A_737 = arith.constant 0 : index
    %get3A_738 = vector.load %arg4[%get3A_736, %get3A_737] : memref<1x1xf32, #tpu.memory_space<vmem>>, vector<1x1xf32>
    %reduce_sum3A_739 = vector.shape_cast %broadcast_in_dim3A_719 : vector<512x1xf32> to vector<1x512x1xf32>
    %reduce_sum3A_740 = arith.constant dense<0.000000e+00> : vector<1xf32>
    %reduce_sum3A_741 = vector.multi_reduction <add>, %reduce_sum3A_739, %reduce_sum3A_740 [1, 2] : vector<1x512x1xf32> to vector<1xf32>
    %reduce_sum3A_742 = vector.shape_cast %reduce_sum3A_741 : vector<1xf32> to vector<1x1x1xf32>
    %reduce_sum3A_743 = vector.extract %reduce_sum3A_742[0, 0, 0] : f32 from vector<1x1x1xf32>
    %add3A_744 = vector.broadcast %reduce_sum3A_743 : f32 to vector<1x1xf32>
    %add3A_745 = arith.addf %get3A_738, %add3A_744 : vector<1x1xf32>
    %swap3A_746 = arith.constant 0 : index
    %swap3A_747 = arith.constant 0 : index
    %swap3A_748 = vector.load %arg4[%swap3A_746, %swap3A_747] : memref<1x1xf32, #tpu.memory_space<vmem>>, vector<1x1xf32>
    tpu.vector_store %arg4[%swap3A_746, %swap3A_747], %add3A_745 {strides = array<i32>} : memref<1x1xf32, #tpu.memory_space<vmem>>, vector<1x1xf32>,
    return
  }
  func.func @transform_0(%arg0: i32) -> (i32, i32, i32) {
    %jit3A = arith.constant 8 : i32
    %div3A = arith.divsi %arg0, %jit3A : i32
    %sign3A = arith.constant 0 : i32
    %sign3A_0 = arith.cmpi sgt, %arg0, %sign3A : i32
    %sign3A_1 = arith.extui %sign3A_0 : i1 to i32
    %sign3A_2 = arith.constant 0 : i32
    %sign3A_3 = arith.cmpi slt, %arg0, %sign3A_2 : i32
    %sign3A_4 = arith.extui %sign3A_3 : i1 to i32
    %sign3A_5 = arith.subi %sign3A_1, %sign3A_4 : i32
    %sign3A_6 = arith.constant 0 : i32
    %sign3A_7 = arith.cmpi sgt, %jit3A, %sign3A_6 : i32
    %sign3A_8 = arith.extui %sign3A_7 : i1 to i32
    %sign3A_9 = arith.constant 0 : i32
    %sign3A_10 = arith.cmpi slt, %jit3A, %sign3A_9 : i32
    %sign3A_11 = arith.extui %sign3A_10 : i1 to i32
    %sign3A_12 = arith.subi %sign3A_8, %sign3A_11 : i32
    %ne3A = arith.cmpi ne, %sign3A_5, %sign3A_12 : i32
    %rem3A = arith.remsi %arg0, %jit3A : i32
    %ne3A_13 = arith.constant 0 : i32
    %ne3A_14 = arith.cmpi ne, %rem3A, %ne3A_13 : i32
    %and3A = arith.andi %ne3A, %ne3A_14 : i1
    %sub3A = arith.constant 1 : i32
    %sub3A_15 = arith.subi %div3A, %sub3A : i32
    %select_n3A = arith.select %and3A, %sub3A_15, %div3A : i32
    %jit3A_16 = arith.constant 8 : i32
    %eq3A = arith.constant 0 : i32
    %eq3A_17 = arith.cmpi eq, %jit3A_16, %eq3A : i32
    %jit3A_18 = arith.constant 1 : i32
    %select_n3A_19 = arith.select %eq3A_17, %jit3A_18, %jit3A_16 : i32
    %rem3A_20 = arith.remsi %arg0, %select_n3A_19 : i32
    %ne3A_21 = arith.constant 0 : i32
    %ne3A_22 = arith.cmpi ne, %rem3A_20, %ne3A_21 : i32
    %lt3A = arith.constant 0 : i32
    %lt3A_23 = arith.cmpi slt, %rem3A_20, %lt3A : i32
    %lt3A_24 = arith.constant 0 : i32
    %lt3A_25 = arith.cmpi slt, %select_n3A_19, %lt3A_24 : i32
    %ne3A_26 = arith.xori %lt3A_23, %lt3A_25 : i1
    %and3A_27 = arith.andi %ne3A_26, %ne3A_22 : i1
    %add3A = arith.addi %rem3A_20, %select_n3A_19 : i32
    %select_n3A_28 = arith.select %and3A_27, %add3A, %rem3A_20 : i32
    %c0_i32 = arith.constant 0 : i32
    %c0_i32_29 = arith.constant 0 : i32
    return %select_n3A, %c0_i32, %select_n3A_28 : i32, i32, i32
  }
  func.func @transform_1(%arg0: i32) -> (i32, i32) {
    %c0_i32 = arith.constant 0 : i32
    %c0_i32_0 = arith.constant 0 : i32
    %c0_i32_1 = arith.constant 0 : i32
    return %c0_i32, %c0_i32_0 : i32, i32
  }
  func.func @transform_2(%arg0: i32) -> (i32, i32) {
    %c0_i32 = arith.constant 0 : i32
    %c0_i32_0 = arith.constant 0 : i32
    return %arg0, %c0_i32 : i32, i32
  }
  func.func @transform_3(%arg0: i32) -> (i32, i32) {
    %c0_i32 = arith.constant 0 : i32
    %c0_i32_0 = arith.constant 0 : i32
    %c0_i32_1 = arith.constant 0 : i32
    return %c0_i32, %c0_i32_0 : i32, i32
  }
}

</mosaic_0001>

<sc_bundles>
// kernel: kernel.4.cloned.1.call-start
scs
__scs_entry_jumppad:
0x0: {  	(pc) =	sbr.rel $0x88, $3  }
0x1: {  	(tag) =	ssettag $0x0;
	lr =	simm.s32 $0x1  }
0x2: {  	[smem:$0x3F9F] =	sst lr;
	_ =	strace $0xD0000000  }
0x3: {  	_ = 	snop  }
0x4: {  	_ = 	snop  }
0x5: {  	_ = 	snop  }
0x6: {  	_ = 	snop  }
0x7: {  	_ = 	snop  }
__scs_overlays_trampoline_lowered:
0x8: {  	[smem:$0x3FAE] =	sst s0  }
0x9: {  	[smem:$0x3FAF] =	sst s1  }
0xa: {  	[smem:$0x3FB0] =	sst s2  }
0xb: {  	[smem:$0x3FB1] =	sst s3  }
0xc: {  	[smem:$0x3FB2] =	sst s4  }
0xd: {  	[smem:$0x3FB3] =	sst s5  }
0xe: {  	[smem:$0x3FB4] =	sst s6  }
0xf: {  	[smem:$0x3FB5] =	sst s7  }
0x10: {  	[smem:$0x3FB6] =	sst s8  }
0x11: {  	[smem:$0x3FB7] =	sst s9;
	s0 =	simm.s32 @!p0 $0x0  }
0x12: {  	s1 =	sld [smem:$0x3F9D];
	s0 =	simm.s32 @p0 $0x1  }
0x13: {  	[smem:$0x3FB8] =	sst s0;
	s0 =	simm.s32 @!p1 $0x0  }
0x14: {  	s2 =	sld [smem:$0x3F9C];
	s0 =	simm.s32 @p1 $0x1  }
0x15: {  	[smem:$0x3FB9] =	sst s0;
	s0 =	simm.s32 @!p2 $0x0  }
0x16: {  	s3 =	sld [smem:$0x3FDB];
	s0 =	simm.s32 @p2 $0x1  }
0x17: {  	s4 =	simm.s32 $0x1BF5;
	[smem:$0x3FBB] =	sst s0  }
0x18: {  	s0 =	sld [smem:$0x3F9E];
	_ =	swait.ge [sflag:s4], $0x0  }
0x19: {  	s7 =	sld [smem:$0x3F9F]  }
0x1a: {  	s8 =	sadd.s32 $0xFFFFE003, lr  }
0x1b: {  	s9 =	sadd.s32 $0xFFFFFEF7, lr;
	s5 =	simm.s32 $0xFFFFFFFF;
	p2 =	slt.u32 s8, $0xFFFFF086  }
0x1c: {  	p1 =	slt.u32 s9, $0xF7A;
	s5 =	simm.s32 @!p2 $0x0  }
0x1d: {  	s5 =	simm.s32 @p1 $0x1;
	p0 =	seq.s32 s7, s2  }
0x1e: {  	s7 =	smul.u32 @!p0 $0xF7A, s2;
	p2 =	seq.s32 @!p0 s5, $0x0  }
0x1f: {  	s9 =	smul.u32 $0xF7A, s1;
	s8 =	simm.s32 @!p0 $0x1BF5;
	p2 =	por !p2, p0  }
0x20: {  	[sflag:s8] =	ssyncset.s32 @!p0 $0xFFFFF086;
	s6 =	sadd.s32 @!p0 s3, s7;
	s7 =	simm.s32 @!p0 $0x108  }
0x21: {  	s3 =	sadd.s32 s3, s9;
	s6 =	sadd.s32 @!p0 $0x88, s6;
	s7 =	simm.s32 @p2 $0x1082  }
0x22: {  	[simem:s7], [sflag:s8] =	dma.local @!p0 [hbm:s6], $0xF7A  }
0x23: {  	s9 =	sor.u32 $0xD0000000, s2;
	s6 =	simm.s32 $0x108;
	_ =	swait.ge @!p0 [sflag:s8], $0x0  }
0x24: {  	s3 =	sadd.s32 $0x88, s3;
	s6 =	simm.s32 @!p1 $0x1082;
	[sflag:s4] =	ssyncset.s32 $0xFFFFF086  }
0x25: {  	[simem:s6], [sflag:s4] =	dma.local [hbm:s3], $0xF7A  }
0x26: {  	[smem:$0x3F9F] =	sst s1;
	(tag) =	ssettag s2;
	_ =	strace s9  }
0x27: {  	s1 =	sld [smem:$0x3FAF]  }
0x28: {  	s2 =	sld [smem:$0x3FB0]  }
0x29: {  	s4 =	sld [smem:$0x3FB2]  }
0x2a: {  	p0 =	seq.s32 s5, $0x0;
	s5 =	sld [smem:$0x3FB3]  }
0x2b: {  	s6 =	sld [smem:$0x3FB4]  }
0x2c: {  	s7 =	sld [smem:$0x3FB5]  }
0x2d: {  	s3 =	simm.s32 $0x108;
	s8 =	sld [smem:$0x3FB6]  }
0x2e: {  	s3 =	simm.s32 @!p0 $0x1082;
	s9 =	sld [smem:$0x3FB7]  }
0x2f: {  	lr =	sadd.s32 s0, s3;
	s0 =	sld [smem:$0x3FAE]  }
0x30: {  	s3 =	sld [smem:$0x3FB1]  }
0x31: {  	[smem:$0x3FBA] =	sst s10  }
0x32: {  	s10 =	sld [smem:$0x3FB8];
	_ =	sdelay $0x3  }
0x33: {  	p0 =	seq.s32 s10, $0x1;
	s10 =	sld [smem:$0x3FBA];
	_ =	sdelay $0x3  }
0x34: {  	[smem:$0x3FBA] =	sst s10  }
0x35: {  	s10 =	sld [smem:$0x3FB9];
	_ =	sdelay $0x3  }
0x36: {  	p1 =	seq.s32 s10, $0x1;
	s10 =	sld [smem:$0x3FBA];
	_ =	sdelay $0x3  }
0x37: {  	[smem:$0x3FBA] =	sst s10  }
0x38: {  	s10 =	sld [smem:$0x3FBB]  }
0x39: {  	_ = 	snop;
	(pc) =	sbr.ind lr, $3  }
0x3a: {  	_ = 	snop  }
0x3b: {  	_ = 	snop  }
0x3c: {  	p2 =	seq.s32 s10, $0x1;
	s10 =	sld [smem:$0x3FBA]  }
0x3d: {  	_ =	shalt  }
0x3e: {  	_ =	shalt  }
0x3f: {  	_ =	shalt  }
0x40: {  	_ =	shalt  }
0x41: {  	_ =	shalt  }
0x42: {  	_ =	shalt  }
0x43: {  	_ =	shalt  }
0x44: {  	_ =	shalt  }
0x45: {  	_ =	shalt  }
0x46: {  	_ =	shalt  }
0x47: {  	_ =	shalt  }
0x48: {  	_ =	shalt  }
0x49: {  	_ =	shalt  }
0x4a: {  	_ =	shalt  }
0x4b: {  	_ =	shalt  }
0x4c: {  	_ =	shalt  }
0x4d: {  	_ =	shalt  }
0x4e: {  	_ =	shalt  }
0x4f: {  	_ =	shalt  }
0x50: {  	_ =	shalt  }
0x51: {  	_ =	shalt  }
0x52: {  	_ =	shalt  }
0x53: {  	_ =	shalt  }
0x54: {  	_ =	shalt  }
0x55: {  	_ =	shalt  }
0x56: {  	_ =	shalt  }
0x57: {  	_ =	shalt  }
0x58: {  	_ =	shalt  }
0x59: {  	_ =	shalt  }
0x5a: {  	_ =	shalt  }
0x5b: {  	_ =	shalt  }
0x5c: {  	_ =	shalt  }
0x5d: {  	_ =	shalt  }
0x5e: {  	_ =	shalt  }
0x5f: {  	_ =	shalt  }
0x60: {  	_ =	shalt  }
0x61: {  	_ =	shalt  }
0x62: {  	_ =	shalt  }
0x63: {  	_ =	shalt  }
0x64: {  	_ =	shalt  }
0x65: {  	_ =	shalt  }
0x66: {  	_ =	shalt  }
0x67: {  	_ =	shalt  }
0x68: {  	_ =	shalt  }
0x69: {  	_ =	shalt  }
0x6a: {  	_ =	shalt  }
0x6b: {  	_ =	shalt  }
0x6c: {  	_ =	shalt  }
0x6d: {  	_ =	shalt  }
0x6e: {  	_ =	shalt  }
0x6f: {  	_ =	shalt  }
0x70: {  	_ =	shalt  }
0x71: {  	_ =	shalt  }
0x72: {  	_ =	shalt  }
0x73: {  	_ =	shalt  }
0x74: {  	_ =	shalt  }
0x75: {  	_ =	shalt  }
0x76: {  	_ =	shalt  }
0x77: {  	_ =	shalt  }
0x78: {  	_ =	shalt  }
0x79: {  	_ =	shalt  }
0x7a: {  	_ =	shalt  }
0x7b: {  	_ =	shalt  }
0x7c: {  	_ =	shalt  }
0x7d: {  	_ =	shalt  }
0x7e: {  	_ =	shalt  }
0x7f: {  	_ =	shalt  }
0x80: {  	_ =	shalt  }
0x81: {  	_ =	shalt  }
0x82: {  	_ =	shalt  }
0x83: {  	_ =	shalt  }
0x84: {  	_ =	shalt  }
0x85: {  	_ =	shalt  }
0x86: {  	_ =	shalt  }
0x87: {  	_ =	shalt  }
.Lfunc_end0:
.L_simem_size_0:
called_computation_lowered:
.L_overlay_start_0:
0x88: {  	s2 =	sld [smem:$0x3FD9]  }
0x89: {  	s3 =	sld [smem:$0x3FFE];
	_ =	sdelay $0x1  }
0x8a: {  	s1 =	srdreg.scid  }
0x8b: {  	s0 =	sand.u32 $0x1, s1  }
0x8c: {  	s14 =	sshll.u32 s0, $0xA;
	s2 =	sadd.s32 s3, s2  }
0x8d: {  	s2 =	sadd.s32 s2, s14  }
0x8e: {  	[smem:$0x3FC6] =	sst s2  }
0x8f: {  	_ = 	snop  }
0x90: {  	s2 =	sld [smem:$0x3FD0];
	_ =	sdelay $0x2  }
0x91: {  	s15 =	simm.s32 $0xA;
	s4 =	simm.s32 $0x10  }
0x92: {  	[smem:s4], [sflag:s15] =	dma.local [hbm:s2], $0x1  }
0x93: {  	_ =	swait.eq [sflag:s15], $0x1  }
0x94: {  	[sflag:s15] =	ssyncset.done $0x0  }
0x95: {  	[sflag:s15] =	ssyncadd.s32 $0xFFFFFFFF  }
0x96: {  	s16 =	sld [smem:$0x10];
	(tm) =	ssettm $0x1  }
0x97: {  	s17 =	sld [smem:$0x3FFB];
	_ =	sdelay $0x3  }
0x98: {  	_ =	strace s17  }
0x99: {  	s3 =	sld [smem:$0x3FFC];
	_ =	sdelay $0x3  }
0x9a: {  	_ =	strace s3  }
0x9b: {  	s3 =	sld [smem:$0x3FFD];
	_ =	sdelay $0x3  }
0x9c: {  	_ =	strace s3  }
0x9d: {  	_ =	strace $0x8FFFFFFF  }
0x9e: {  	s18 =	sld [smem:$0x3FDB];
	_ =	sdelay $0x1  }
0x9f: {  	s19 =	simm.s32 $_scs_section_size  }
0xa0: {  	s5 =	simm.s32 $_size__tile_overlayer_lowered;
	s6 =	simm.s32 $_tile_overlayer_lowered  }
0xa1: {  	s22 =	simm.s32 $0x1BFF;
	s21 =	sshll.u32 s6, $0x1;
	s3 =	sadd.s32 s19, s18  }
0xa2: {  	s7 =	simm.s32 $0x0;
	s20 =	sshll.u32 s5, $0x1;
	s5 =	sadd.s32 s21, s3  }
0xa3: {  	[timem:s7], [sflag:s22] =	dma.local [hbm:s5], s20  }
0xa4: {  	_ =	swait.ge [sflag:s22], s20  }
0xa5: {  	s4 =	ssub.s32 $0x0, s20;
	[sflag:s22] =	ssyncset.done $0x0  }
0xa6: {  	[sflag:s22] =	ssyncadd.s32 s4;
	_ =	sdelay $0x1  }
0xa7: {  	s23 =	simm.s32 $0x1B8B  }
0xa8: {  	_ =	swait.ge [sflag:s23], $0x1  }
0xa9: {  	[sflag:s23] =	ssyncset.done $0x0  }
0xaa: {  	s25 =	simm.s32 $0x1B8E;
	s24 =	sld [smem:$0x3FFE];
	[sflag:s23] =	ssyncadd.s32 $0xFFFFFFFF  }
0xab: {  	s26 =	simm.s32 $execute0_lowered;
	[smem:$0x3FD2] =	sst s25  }
0xac: {  	s5 =	sshll.u32 s26, $0x1;
	_ =	strace $0x80000046;
	[dreg:$0x1] =	wrdreg $0xFFFFFFFF  }
0xad: {  	s28 =	simm.s32 $_size_execute0_lowered;
	s3 =	sadd.s32 s3, s5;
	[dreg:$0x0] =	wrdreg $0x0  }
0xae: {  	s5 =	sshll.u32 s28, $0x1;
	[dreg:$0x2] =	wrdreg s3  }
0xaf: {  	[dreg:$0x3] =	wrdreg s5  }
0xb0: {  	[dreg:$0x4] =	wrdreg $0xC0  }
0xb1: {  	_ =	task [dreg:s7], $0x5FFFF  }
0xb2: {  	[dreg:$0x1] =	wrdreg $0xFFFFFFFF  }
0xb3: {  	[dreg:$0x0] =	wrdreg $0x60  }
0xb4: {  	[dreg:$0x2] =	wrdreg s24  }
0xb5: {  	[dreg:$0x3] =	wrdreg s16  }
0xb6: {  	[dreg:$0x4] =	wrdreg $0x9  }
0xb7: {  	_ =	task.clear_ibuf [dreg:s7], $0x5FFFF;
	_ =	strace $0x90000046  }
0xb8: {  	s29 =	simm.s32 $0x9;
	_ =	strace $0x80000048  }
0xb9: {  	_ =	swait.ge [sflag:s29], $0x1  }
0xba: {  	[sflag:s29] =	ssyncadd.s32 $0xFFFFFFFF  }
0xbb: {  	_ =	strace $0x90000048  }
0xbc: {  	_ =	sfence  }
0xbd: {  	s30 =	sld [smem:$0x0];
	_ =	sdelay $0x2  }
0xbe: {  	s31 =	sshll.u32 s1, $0xD;
	s1 =	sshrl.u32 s1, $0x2  }
0xbf: {  	s3 =	sand.u32 $0x4000, s31;
	s1 =	sadd.s32 s1, s30  }
0xc0: {  	s0 =	sor.u32 s3, s0;
	s1 =	sshll.u32 s1, $0x11  }
0xc1: {  	s0 =	sor.u32 s1, s0  }
0xc2: {  	s0 =	sadd.s32 $0x8F2B, s0  }
0xc3: {  	[sflag:s0] =	ssyncadd.remote.s32 $0x1  }
0xc4: {  	_ =	sfence.sel $0xFFFF  }
0xc5: {  	[dreg:$0x0] =	wrdreg $0xFFFFFFFF;
	(pc) =	sbr.abs _section_cstart, $3  }
0xc6: {  	[dreg:$0x1] =	wrdreg $0xFFFFFFFF  }
0xc7: {  	_ =	task.clear_ibuf [dreg:s7], $0x2FFFF;
	_ =	strace $0x9FFFFFFF  }
0xc8: {  	(tm) =	ssettm $0x7FFFFFFF  }
0xc9: {  	_ =	shalt  }
tec
execute0_lowered:
.L_overlay_start_1:
0x0: {  	(tag) =	ssettag $0x1  }
0x1: {  	s5 =	rddreg [dreg:$0x0];
	s0 =	srdreg.scid  }
0x2: {  	s14 =	rddreg [dreg:$0x1];
	s15 =	sand.u32 $0x1, s0  }
0x3: {  	s1 =	stileid.u32;
	s2 =	simm.s32 $0x0;
	s3 =	sshll.u32 s15, $0x6  }
0x4: {  	s0 =	rddreg [dreg:$0x2];
	s4 =	sshll.u32 s1, $0x7;
	s3 =	sadd.s32 s3, s5  }
0x5: {  	[smem:$0x7FF] =	sst s2;
	s3 =	sadd.s32 s4, s3  }
0x6: {  	_ =	strace $0x80000047;
	s4 =	sadd.s32 $0x400, s3;
	s3 =	simm.s32 $0x2  }
0x7: {  	[tilespmem:s2], [sflag:$0x2] =	stream.linear.gather [hbm4b:s4+s2], $0x200, $0x38;
	[tilespmem:$0x10200] =	vst v63  }
0x8: {  	_ =	swait.ge [sflag:s3], $0x200  }
0x9: {  	s6 =	simm.s32 $0x80;
	[sflag:s3] =	ssyncset.done $0x0  }
0xa: {  	s7 =	simm.s32 $0x200;
	s5 =	sadd.s32 $0xC00, s5;
	[sflag:s3] =	ssyncadd.s32 $0xFFFFFE00  }
0xb: {  	[tilespmem:s7], [sflag:$0x1] =	stream.indirect.gather [hbm4b:s5+s6], $0x80, s2, s6, $0xb8;
	[tilespmem:$0x10200] =	vst v63  }
0xc: {  	s8 =	simm.s32 $0x4200  }
0xd: {  	[tilespmem:s8], [sflag:$0x1] =	stream.indirect.gather [hbm4b:s5+s6], $0x80, s6, s6, $0xb8;
	[tilespmem:$0x10200] =	vst v63  }
0xe: {  	s9 =	simm.s32 $0x100;
	s10 =	simm.s32 $0x8200  }
0xf: {  	[tilespmem:s10], [sflag:$0x1] =	stream.indirect.gather [hbm4b:s5+s6], $0x80, s9, s6, $0xb8;
	[tilespmem:$0x10200] =	vst v63  }
0x10: {  	s11 =	simm.s32 $0x180;
	s12 =	simm.s32 $0xC200;
	s13 =	simm.s32 $0x1  }
0x11: {  	[tilespmem:s12], [sflag:$0x1] =	stream.indirect.gather [hbm4b:s5+s6], $0x80, s11, s6, $0xb8;
	[tilespmem:$0x10200] =	vst v63  }
0x12: {  	_ =	swait.ge [sflag:s13], $0x4000  }
0x13: {  	[sflag:s13] =	ssyncset.done $0x0  }
0x14: {  	[sflag:s13] =	ssyncadd.s32 $0xFFFFC000  }
0x15: {  	_ =	swait.ge [sflag:s13], $0x4000  }
0x16: {  	[sflag:s13] =	ssyncset.done $0x0  }
0x17: {  	s16 =	ssub.s32 $0x2, s15;
	[sflag:s13] =	ssyncadd.s32 $0xFFFFC000  }
0x18: {  	s17 =	sshrl.u32 s16, $0x1;
	_ =	swait.ge [sflag:s13], $0x4000  }
0x19: {  	s16 =	ssub.s32 s16, s17;
	[sflag:s13] =	ssyncset.done $0x0  }
0x1a: {  	s30 =	sshll.u32 s1, $0xE;
	s31 =	smax.u32 s16, $0x1;
	[sflag:s13] =	ssyncadd.s32 $0xFFFFC000  }
0x1b: {  	s15 =	sshll.u32 s15, $0xD;
	p0 =	sne.s32 s31, $0x1;
	_ =	swait.ge [sflag:s13], $0x4000  }
.Ltmp0:
0x1c: {  	s14 =	sadd.s32 s14, s15;
	[sflag:s13] =	ssyncset.done $0x0;
	(pc) =	sbr.rel @!p0 .LBB2_2-.Ltmp0, $4  }
0x1d: {  	s14 =	sadd.s32 s30, s14;
	[sflag:s13] =	ssyncadd.s32 $0xFFFFC000  }
0x1e: {  	[hbm4b:s14+s2] =	stream.linear.scatter [tilespmem:s7], [sflag:$0x2], $0x10000, $0x38;
	[tilespmem:$0x10200] =	vst v63  }
0x1f: {  	_ =	swait.ge [sflag:s3], $0x10000  }
0x20: {  	s15 =	sadd.s32 $0xFFFFFFFF, s31;
	[sflag:s3] =	ssyncset.done $0x0  }
.LBB2_1:
0x21: {  	p0 =	sne.s32 s15, $0x1;
	s15 =	sadd.s32 $0xFFFFFFFF, s15;
	[sflag:s3] =	ssyncadd.s32 $0xFFFF0000  }
0x22: {  	[tilespmem:s2], [sflag:$0x2] =	stream.linear.gather [hbm4b:s4+s2], $0x200, $0x38;
	[tilespmem:$0x10200] =	vst v63  }
0x23: {  	_ =	swait.ge [sflag:s3], $0x200  }
0x24: {  	[sflag:s3] =	ssyncset.done $0x0  }
0x25: {  	[sflag:s3] =	ssyncadd.s32 $0xFFFFFE00  }
0x26: {  	[tilespmem:s7], [sflag:$0x1] =	stream.indirect.gather [hbm4b:s5+s6], $0x80, s2, s6, $0xb8;
	[tilespmem:$0x10200] =	vst v63  }
0x27: {  	_ = 	snop  }
0x28: {  	[tilespmem:s8], [sflag:$0x1] =	stream.indirect.gather [hbm4b:s5+s6], $0x80, s6, s6, $0xb8;
	[tilespmem:$0x10200] =	vst v63  }
0x29: {  	_ = 	snop  }
0x2a: {  	[tilespmem:s10], [sflag:$0x1] =	stream.indirect.gather [hbm4b:s5+s6], $0x80, s9, s6, $0xb8;
	[tilespmem:$0x10200] =	vst v63  }
0x2b: {  	_ = 	snop  }
0x2c: {  	[tilespmem:s12], [sflag:$0x1] =	stream.indirect.gather [hbm4b:s5+s6], $0x80, s11, s6, $0xb8;
	[tilespmem:$0x10200] =	vst v63  }
0x2d: {  	_ =	swait.ge [sflag:s13], $0x4000  }
0x2e: {  	[sflag:s13] =	ssyncset.done $0x0  }
0x2f: {  	[sflag:s13] =	ssyncadd.s32 $0xFFFFC000  }
0x30: {  	_ =	swait.ge [sflag:s13], $0x4000  }
0x31: {  	[sflag:s13] =	ssyncset.done $0x0  }
0x32: {  	[sflag:s13] =	ssyncadd.s32 $0xFFFFC000  }
0x33: {  	_ =	swait.ge [sflag:s13], $0x4000  }
0x34: {  	[sflag:s13] =	ssyncset.done $0x0  }
0x35: {  	[sflag:s13] =	ssyncadd.s32 $0xFFFFC000  }
0x36: {  	_ =	swait.ge [sflag:s13], $0x4000  }
.Ltmp1:
0x37: {  	[sflag:s13] =	ssyncset.done $0x0;
	(pc) =	sbr.rel @p0 .LBB2_1-.Ltmp1, $4  }
0x38: {  	[sflag:s13] =	ssyncadd.s32 $0xFFFFC000  }
0x39: {  	[hbm4b:s14+s2] =	stream.linear.scatter [tilespmem:s7], [sflag:$0x2], $0x10000, $0x38;
	[tilespmem:$0x10200] =	vst v63  }
0x3a: {  	_ =	swait.ge [sflag:s3], $0x10000  }
0x3b: {  	[sflag:s3] =	ssyncset.done $0x0  }
.LBB2_2:
0x3c: {  	[sflag:s3] =	ssyncadd.s32 $0xFFFF0000  }
0x3d: {  	_ =	sfence.sel $0x180000  }
0x3e: {  	[bflag:$0x0] =	sbarrier.arrive $0xFFFF  }
0x3f: {  	p0 =	sne.s32 s1, $0x0;
	_ =	strace $0x90000047  }
0x40: {  	s0 =	sadd.s32 @!p0 $0x100000, s0;
	[bflag:$0x2] =	sbarrier.arrive $0xFFFF  }
0x41: {  	[sflag:s0] =	ssyncadd.tile.s32 @!p0 $0x1;
	_ =	shalt  }
.Lfunc_end2:
_tile_overlayer_lowered:
.L_overlay_start_2:
0x42: {  	(tag) =	ssettag $0x2  }
0x43: {  	s0 =	rddreg [dreg:$0x0];
	s2 =	stileid.u32  }
0x44: {  	s1 =	rddreg [dreg:$0x1];
	p0 =	sne.s32 s2, $0x0  }
0x45: {  	s3 =	rddreg [dreg:$0x2];
	[bflag:$0x3] =	sbarrier.arrive $0xFFFF;
	s2 =	simm.s32 @!p0 $0x1C02  }
0x46: {  	[timem:s3], [sflag:s2] =	dma.local @!p0 [hbm:s0], s1  }
0x47: {  	s0 =	simm.s32 @!p0 $0x2  }
0x48: {  	_ =	swait.ge @!p0 [sflag:s0], s1  }
0x49: {  	s1 =	ssub.s32 @!p0 $0x0, s1;
	[sflag:s0] =	ssyncset.done @!p0 $0x0  }
0x4a: {  	[sflag:s0] =	ssyncadd.s32 @!p0 s1  }
0x4b: {  	[bflag:$0x3] =	sbarrier.arrive $0xFFFF  }
0x4c: {  	_ =	shalt  }

</sc_bundles>
